<compile_context>
chip_gen: v7x
topology: tpu7x:2x2x1
jax: 0.10.2.dev20260603
libtpu: 0.0.44.dev20260713+nightly
codegen_flags: <defaults>
</compile_context>

<pallas_src>
import functools

import jax
import jax.numpy as jnp
from jax import lax
from jax.experimental import pallas as pl
from jax.experimental.pallas import tpu as pltpu
from jax.experimental.pallas import tpu_sc as plsc

VOCAB = 1000
EMBED_DIM = 128
BATCH = 4096
HIST_LEN = 50
HIST_PAD = 56

_INFO = plsc.get_sparse_core_info()
NC, NS = _INFO.num_cores, _INFO.num_subcores
NW = NC * NS
B_PER_W = BATCH // NW
NBUF = 8
NGROUP = B_PER_W // NBUF


def _build_kernel():
    mesh = plsc.VectorSubcoreMesh(core_axis_name="c", subcore_axis_name="s")

    @functools.partial(
        pl.kernel,
        mesh=mesh,
        out_type=jax.ShapeDtypeStruct((BATCH, HIST_LEN, EMBED_DIM),
                                      jnp.float32),
        scratch_types=[
            pltpu.VMEM((B_PER_W, HIST_PAD), jnp.int32),
            pltpu.VMEM((NBUF, HIST_LEN, EMBED_DIM), jnp.float32),
            pltpu.VMEM_SHARED((VOCAB, EMBED_DIM), jnp.float32),
        ]
        + [pltpu.SemaphoreType.DMA] * (2 * NBUF),
    )
    def gather_kernel(x_hbm, table_hbm, out_hbm, idx_v, rows_v, table_sp,
                      *sems):
        gsems, osems = sems[:NBUF], sems[NBUF:]
        sid = lax.axis_index("s")
        wid = sid * NC + lax.axis_index("c")
        b0 = wid * B_PER_W

        @pl.when(sid == 0)
        def _stage_table():
            pltpu.sync_copy(table_hbm, table_sp)

        pltpu.sync_copy(x_hbm.at[wid], idx_v)
        plsc.subcore_barrier()

        def gather(i, b):
            return pltpu.make_async_copy(
                table_sp.at[idx_v.at[i, pl.ds(0, HIST_LEN)]],
                rows_v.at[b], gsems[b])

        def out_copy(i, b):
            return pltpu.make_async_copy(
                rows_v.at[b], out_hbm.at[b0 + i], osems[b])

        for b in range(NBUF):
            gather(b, b).start()

        def body(g, carry):
            i0 = g * NBUF
            for b in range(NBUF):
                gather(i0 + b, b).wait()
                out_copy(i0 + b, b).start()
            for b in range(NBUF):
                out_copy(i0 + b, b).wait()
                gather(i0 + NBUF + b, b).start()
            return carry

        lax.fori_loop(0, NGROUP - 1, body, 0)

        il = (NGROUP - 1) * NBUF
        for b in range(NBUF):
            gather(il + b, b).wait()
            out_copy(il + b, b).start()
        for b in range(NBUF):
            out_copy(il + b, b).wait()

    return gather_kernel


_KERNEL = _build_kernel()


def kernel(x, table):
    idx = x.astype(jnp.int32)
    idx = jnp.pad(idx, ((0, 0), (0, HIST_PAD - HIST_LEN)))
    idx = idx.reshape(NW, B_PER_W, HIST_PAD)
    return _KERNEL(idx, table)

# --- scband reference (transcript-rebuilt; emitter-appended) ---
"""Pipeline reference for scband-bnode-embedding-6167573037808 (READ-ONLY COPY).

The authoritative reference and input builder live on the scoring server;
editing this copy changes nothing except your own understanding.
"""

import jax, jax.numpy as jnp
import numpy as np

VOCAB = 1000
EMBED_DIM = 128
BATCH = 4096
HIST_LEN = 50


def setup_inputs(seed: int = 0) -> dict:
    key = jax.random.key(seed)
    k_tab, k_idx = jax.random.split(key)
    table = jax.random.normal(k_tab, (VOCAB, EMBED_DIM), dtype=jnp.float32)
    x = jax.random.randint(k_idx, (BATCH, HIST_LEN), 0, VOCAB, dtype=jnp.int64)
    return {"x": x, "table": table}


def reference(x, table):
    # BnodeEmbedding.forward with dropout p == 0: pure embedding lookup
    # nn.Embedding(x) -> table[x]
    out = jnp.take(table, x, axis=0)
    return out

if __name__ == "__main__":
    import jax
    _d = setup_inputs()
    print(jax.jit(kernel)(*tuple(_d.values())))

</pallas_src>

<mosaic_0001>
#map = affine_map<(d0, d1) -> (0, 0, 0)>
#map1 = affine_map<(d0, d1) -> (0, 0)>
module attributes {stable_mosaic.version = 14 : i64} {
  func.func @gather_kernel(%arg0: i32, %arg1: i32, %arg2: memref<32x128x56xi32, #tpu.memory_space<hbm>>, %arg3: memref<1000x128xf32, #tpu.memory_space<hbm>>, %arg4: memref<4096x50x128xf32, #tpu.memory_space<hbm>>, %arg5: memref<128x56xi32, #tpu.memory_space<vmem>>, %arg6: memref<8x50x128xf32, #tpu.memory_space<vmem>>, %arg7: memref<1000x128xf32, #tpu.memory_space<vmem_shared>>, %arg8: memref<!tpu.dma_semaphore, #tpu.memory_space<semaphore_mem>>, %arg9: memref<!tpu.dma_semaphore, #tpu.memory_space<semaphore_mem>>, %arg10: memref<!tpu.dma_semaphore, #tpu.memory_space<semaphore_mem>>, %arg11: memref<!tpu.dma_semaphore, #tpu.memory_space<semaphore_mem>>, %arg12: memref<!tpu.dma_semaphore, #tpu.memory_space<semaphore_mem>>, %arg13: memref<!tpu.dma_semaphore, #tpu.memory_space<semaphore_mem>>, %arg14: memref<!tpu.dma_semaphore, #tpu.memory_space<semaphore_mem>>, %arg15: memref<!tpu.dma_semaphore, #tpu.memory_space<semaphore_mem>>, %arg16: memref<!tpu.dma_semaphore, #tpu.memory_space<semaphore_mem>>, %arg17: memref<!tpu.dma_semaphore, #tpu.memory_space<semaphore_mem>>, %arg18: memref<!tpu.dma_semaphore, #tpu.memory_space<semaphore_mem>>, %arg19: memref<!tpu.dma_semaphore, #tpu.memory_space<semaphore_mem>>, %arg20: memref<!tpu.dma_semaphore, #tpu.memory_space<semaphore_mem>>, %arg21: memref<!tpu.dma_semaphore, #tpu.memory_space<semaphore_mem>>, %arg22: memref<!tpu.dma_semaphore, #tpu.memory_space<semaphore_mem>>, %arg23: memref<!tpu.dma_semaphore, #tpu.memory_space<semaphore_mem>>) attributes {dimension_semantics = [#tpu.dimension_semantics<core_parallel>, #tpu.dimension_semantics<subcore_parallel>], iteration_bounds = array<i64: 2, 16>, scalar_prefetch = 0 : i64, scratch_operands = 19 : i64, tpu.core_type = #tpu.core_type<sc_vector_subcore>, window_params = [{transform_indices = #map}, {transform_indices = #map1}, {transform_indices = #map}]} {
    %mul3A = arith.constant 2 : i32
    %mul3A_0 = arith.muli %arg1, %mul3A : i32
    %add3A = arith.addi %mul3A_0, %arg0 : i32
    %mul3A_1 = arith.constant 128 : i32
    %mul3A_2 = arith.muli %add3A, %mul3A_1 : i32
    %eq3A = arith.constant 0 : i32
    %eq3A_3 = arith.cmpi eq, %arg1, %eq3A : i32
    %convert_element_type3A = arith.extui %eq3A_3 : i1 to i32
    %cond3A = arith.constant 0 : i32
    %cond3A_4 = arith.cmpi ne, %convert_element_type3A, %cond3A : i32
    scf.if %cond3A_4 {
      "tpu.region"() ({
        %run_scoped3A = tpu.sem_alloc : memref<!tpu.dma_semaphore, #tpu.memory_space<semaphore_mem>>
        tpu.enqueue_dma source(%arg3 : memref<1000x128xf32, #tpu.memory_space<hbm>>) target(%arg7 : memref<1000x128xf32, #tpu.memory_space<vmem_shared>>) target_semaphore(%run_scoped3A : memref<!tpu.dma_semaphore, #tpu.memory_space<semaphore_mem>>)
        tpu.wait_dma2 semaphore(%run_scoped3A : memref<!tpu.dma_semaphore, #tpu.memory_space<semaphore_mem>>) src(%arg3 : memref<1000x128xf32, #tpu.memory_space<hbm>>) dst(%arg7 : memref<1000x128xf32, #tpu.memory_space<vmem_shared>>)
        tpu.yield
      }) : () -> ()
    } else {
    }
    "tpu.region"() ({
      %run_scoped3A = tpu.sem_alloc : memref<!tpu.dma_semaphore, #tpu.memory_space<semaphore_mem>>
      %dma_start3A_504 = arith.constant 0 : i32
      %dma_start3A_505 = arith.constant 0 : i32
      %dma_start3A_506 = tpu.memref_slice %arg2[%add3A, %dma_start3A_504, %dma_start3A_505] : memref<32x128x56xi32, #tpu.memory_space<hbm>> -> memref<1x128x56xi32, #tpu.memory_space<hbm>>
      %dma_start3A_507 = tpu.memref_squeeze %dma_start3A_506 : memref<1x128x56xi32, #tpu.memory_space<hbm>> -> memref<128x56xi32, #tpu.memory_space<hbm>>
      %dma_start3A_508 = arith.constant 0 : i32
      %dma_start3A_509 = arith.constant 0 : i32
      %dma_start3A_510 = tpu.memref_slice %arg2[%add3A, %dma_start3A_508, %dma_start3A_509] : memref<32x128x56xi32, #tpu.memory_space<hbm>> -> memref<1x128x56xi32, #tpu.memory_space<hbm>>
      %dma_start3A_511 = tpu.memref_squeeze %dma_start3A_510 : memref<1x128x56xi32, #tpu.memory_space<hbm>> -> memref<128x56xi32, #tpu.memory_space<hbm>>
      tpu.enqueue_dma source(%dma_start3A_511 : memref<128x56xi32, #tpu.memory_space<hbm>>) target(%arg5 : memref<128x56xi32, #tpu.memory_space<vmem>>) target_semaphore(%run_scoped3A : memref<!tpu.dma_semaphore, #tpu.memory_space<semaphore_mem>>)
      %dma_wait3A_512 = arith.constant 0 : i32
      %dma_wait3A_513 = arith.constant 0 : i32
      %dma_wait3A_514 = tpu.memref_slice %arg2[%add3A, %dma_wait3A_512, %dma_wait3A_513] : memref<32x128x56xi32, #tpu.memory_space<hbm>> -> memref<1x128x56xi32, #tpu.memory_space<hbm>>
      %dma_wait3A_515 = tpu.memref_squeeze %dma_wait3A_514 : memref<1x128x56xi32, #tpu.memory_space<hbm>> -> memref<128x56xi32, #tpu.memory_space<hbm>>
      %dma_wait3A_516 = arith.constant 0 : i32
      %dma_wait3A_517 = arith.constant 0 : i32
      %dma_wait3A_518 = tpu.memref_slice %arg2[%add3A, %dma_wait3A_516, %dma_wait3A_517] : memref<32x128x56xi32, #tpu.memory_space<hbm>> -> memref<1x128x56xi32, #tpu.memory_space<hbm>>
      %dma_wait3A_519 = tpu.memref_squeeze %dma_wait3A_518 : memref<1x128x56xi32, #tpu.memory_space<hbm>> -> memref<128x56xi32, #tpu.memory_space<hbm>>
      tpu.wait_dma2 semaphore(%run_scoped3A : memref<!tpu.dma_semaphore, #tpu.memory_space<semaphore_mem>>) src(%dma_wait3A_519 : memref<128x56xi32, #tpu.memory_space<hbm>>) dst(%arg5 : memref<128x56xi32, #tpu.memory_space<vmem>>)
      tpu.yield
    }) : () -> ()
    %barrier3A = arith.constant 0 : index
    tpu.barrier barrier_id(%barrier3A)
    %dma_start3A = arith.constant 0 : i32
    %dma_start3A_5 = arith.constant 0 : i32
    %dma_start3A_6 = arith.constant 0 : i32
    %dma_start3A_7 = arith.constant 0 : i32
    %dma_start3A_8 = tpu.memref_slice %arg6[%dma_start3A_5, %dma_start3A_6, %dma_start3A_7] : memref<8x50x128xf32, #tpu.memory_space<vmem>> -> memref<1x50x128xf32, #tpu.memory_space<vmem>>
    %dma_start3A_9 = tpu.memref_squeeze %dma_start3A_8 : memref<1x50x128xf32, #tpu.memory_space<vmem>> -> memref<50x128xf32, #tpu.memory_space<vmem>>
    %dma_start3A_10 = arith.constant 0 : i32
    %dma_start3A_11 = tpu.memref_slice %arg5[%dma_start3A, %dma_start3A_10] : memref<128x56xi32, #tpu.memory_space<vmem>> -> memref<1x50xi32, #tpu.memory_space<vmem>>
    %dma_start3A_12 = tpu.memref_squeeze %dma_start3A_11 : memref<1x50xi32, #tpu.memory_space<vmem>> -> memref<50xi32, #tpu.memory_space<vmem>>
    %dma_start3A_13 = arith.constant 0 : i32
    %dma_start3A_14 = arith.constant 0 : i32
    %dma_start3A_15 = tpu.memref_slice %arg7[%dma_start3A_13, %dma_start3A_14] : memref<1000x128xf32, #tpu.memory_space<vmem_shared>> -> memref<1000x128xf32, #tpu.memory_space<vmem_shared>>
    tpu.enqueue_indirect_dma source(%dma_start3A_15 : memref<1000x128xf32, #tpu.memory_space<vmem_shared>>) target(%dma_start3A_9 : memref<50x128xf32, #tpu.memory_space<vmem>>) offsets(%dma_start3A_12 : memref<50xi32, #tpu.memory_space<vmem>>) semaphore(%arg8 : memref<!tpu.dma_semaphore, #tpu.memory_space<semaphore_mem>>)
    %dma_start3A_16 = arith.constant 1 : i32
    %dma_start3A_17 = arith.constant 1 : i32
    %dma_start3A_18 = arith.constant 0 : i32
    %dma_start3A_19 = arith.constant 0 : i32
    %dma_start3A_20 = tpu.memref_slice %arg6[%dma_start3A_17, %dma_start3A_18, %dma_start3A_19] : memref<8x50x128xf32, #tpu.memory_space<vmem>> -> memref<1x50x128xf32, #tpu.memory_space<vmem>>
    %dma_start3A_21 = tpu.memref_squeeze %dma_start3A_20 : memref<1x50x128xf32, #tpu.memory_space<vmem>> -> memref<50x128xf32, #tpu.memory_space<vmem>>
    %dma_start3A_22 = arith.constant 0 : i32
    %dma_start3A_23 = tpu.memref_slice %arg5[%dma_start3A_16, %dma_start3A_22] : memref<128x56xi32, #tpu.memory_space<vmem>> -> memref<1x50xi32, #tpu.memory_space<vmem>>
    %dma_start3A_24 = tpu.memref_squeeze %dma_start3A_23 : memref<1x50xi32, #tpu.memory_space<vmem>> -> memref<50xi32, #tpu.memory_space<vmem>>
    %dma_start3A_25 = arith.constant 0 : i32
    %dma_start3A_26 = arith.constant 0 : i32
    %dma_start3A_27 = tpu.memref_slice %arg7[%dma_start3A_25, %dma_start3A_26] : memref<1000x128xf32, #tpu.memory_space<vmem_shared>> -> memref<1000x128xf32, #tpu.memory_space<vmem_shared>>
    tpu.enqueue_indirect_dma source(%dma_start3A_27 : memref<1000x128xf32, #tpu.memory_space<vmem_shared>>) target(%dma_start3A_21 : memref<50x128xf32, #tpu.memory_space<vmem>>) offsets(%dma_start3A_24 : memref<50xi32, #tpu.memory_space<vmem>>) semaphore(%arg9 : memref<!tpu.dma_semaphore, #tpu.memory_space<semaphore_mem>>)
    %dma_start3A_28 = arith.constant 2 : i32
    %dma_start3A_29 = arith.constant 2 : i32
    %dma_start3A_30 = arith.constant 0 : i32
    %dma_start3A_31 = arith.constant 0 : i32
    %dma_start3A_32 = tpu.memref_slice %arg6[%dma_start3A_29, %dma_start3A_30, %dma_start3A_31] : memref<8x50x128xf32, #tpu.memory_space<vmem>> -> memref<1x50x128xf32, #tpu.memory_space<vmem>>
    %dma_start3A_33 = tpu.memref_squeeze %dma_start3A_32 : memref<1x50x128xf32, #tpu.memory_space<vmem>> -> memref<50x128xf32, #tpu.memory_space<vmem>>
    %dma_start3A_34 = arith.constant 0 : i32
    %dma_start3A_35 = tpu.memref_slice %arg5[%dma_start3A_28, %dma_start3A_34] : memref<128x56xi32, #tpu.memory_space<vmem>> -> memref<1x50xi32, #tpu.memory_space<vmem>>
    %dma_start3A_36 = tpu.memref_squeeze %dma_start3A_35 : memref<1x50xi32, #tpu.memory_space<vmem>> -> memref<50xi32, #tpu.memory_space<vmem>>
    %dma_start3A_37 = arith.constant 0 : i32
    %dma_start3A_38 = arith.constant 0 : i32
    %dma_start3A_39 = tpu.memref_slice %arg7[%dma_start3A_37, %dma_start3A_38] : memref<1000x128xf32, #tpu.memory_space<vmem_shared>> -> memref<1000x128xf32, #tpu.memory_space<vmem_shared>>
    tpu.enqueue_indirect_dma source(%dma_start3A_39 : memref<1000x128xf32, #tpu.memory_space<vmem_shared>>) target(%dma_start3A_33 : memref<50x128xf32, #tpu.memory_space<vmem>>) offsets(%dma_start3A_36 : memref<50xi32, #tpu.memory_space<vmem>>) semaphore(%arg10 : memref<!tpu.dma_semaphore, #tpu.memory_space<semaphore_mem>>)
    %dma_start3A_40 = arith.constant 3 : i32
    %dma_start3A_41 = arith.constant 3 : i32
    %dma_start3A_42 = arith.constant 0 : i32
    %dma_start3A_43 = arith.constant 0 : i32
    %dma_start3A_44 = tpu.memref_slice %arg6[%dma_start3A_41, %dma_start3A_42, %dma_start3A_43] : memref<8x50x128xf32, #tpu.memory_space<vmem>> -> memref<1x50x128xf32, #tpu.memory_space<vmem>>
    %dma_start3A_45 = tpu.memref_squeeze %dma_start3A_44 : memref<1x50x128xf32, #tpu.memory_space<vmem>> -> memref<50x128xf32, #tpu.memory_space<vmem>>
    %dma_start3A_46 = arith.constant 0 : i32
    %dma_start3A_47 = tpu.memref_slice %arg5[%dma_start3A_40, %dma_start3A_46] : memref<128x56xi32, #tpu.memory_space<vmem>> -> memref<1x50xi32, #tpu.memory_space<vmem>>
    %dma_start3A_48 = tpu.memref_squeeze %dma_start3A_47 : memref<1x50xi32, #tpu.memory_space<vmem>> -> memref<50xi32, #tpu.memory_space<vmem>>
    %dma_start3A_49 = arith.constant 0 : i32
    %dma_start3A_50 = arith.constant 0 : i32
    %dma_start3A_51 = tpu.memref_slice %arg7[%dma_start3A_49, %dma_start3A_50] : memref<1000x128xf32, #tpu.memory_space<vmem_shared>> -> memref<1000x128xf32, #tpu.memory_space<vmem_shared>>
    tpu.enqueue_indirect_dma source(%dma_start3A_51 : memref<1000x128xf32, #tpu.memory_space<vmem_shared>>) target(%dma_start3A_45 : memref<50x128xf32, #tpu.memory_space<vmem>>) offsets(%dma_start3A_48 : memref<50xi32, #tpu.memory_space<vmem>>) semaphore(%arg11 : memref<!tpu.dma_semaphore, #tpu.memory_space<semaphore_mem>>)
    %dma_start3A_52 = arith.constant 4 : i32
    %dma_start3A_53 = arith.constant 4 : i32
    %dma_start3A_54 = arith.constant 0 : i32
    %dma_start3A_55 = arith.constant 0 : i32
    %dma_start3A_56 = tpu.memref_slice %arg6[%dma_start3A_53, %dma_start3A_54, %dma_start3A_55] : memref<8x50x128xf32, #tpu.memory_space<vmem>> -> memref<1x50x128xf32, #tpu.memory_space<vmem>>
    %dma_start3A_57 = tpu.memref_squeeze %dma_start3A_56 : memref<1x50x128xf32, #tpu.memory_space<vmem>> -> memref<50x128xf32, #tpu.memory_space<vmem>>
    %dma_start3A_58 = arith.constant 0 : i32
    %dma_start3A_59 = tpu.memref_slice %arg5[%dma_start3A_52, %dma_start3A_58] : memref<128x56xi32, #tpu.memory_space<vmem>> -> memref<1x50xi32, #tpu.memory_space<vmem>>
    %dma_start3A_60 = tpu.memref_squeeze %dma_start3A_59 : memref<1x50xi32, #tpu.memory_space<vmem>> -> memref<50xi32, #tpu.memory_space<vmem>>
    %dma_start3A_61 = arith.constant 0 : i32
    %dma_start3A_62 = arith.constant 0 : i32
    %dma_start3A_63 = tpu.memref_slice %arg7[%dma_start3A_61, %dma_start3A_62] : memref<1000x128xf32, #tpu.memory_space<vmem_shared>> -> memref<1000x128xf32, #tpu.memory_space<vmem_shared>>
    tpu.enqueue_indirect_dma source(%dma_start3A_63 : memref<1000x128xf32, #tpu.memory_space<vmem_shared>>) target(%dma_start3A_57 : memref<50x128xf32, #tpu.memory_space<vmem>>) offsets(%dma_start3A_60 : memref<50xi32, #tpu.memory_space<vmem>>) semaphore(%arg12 : memref<!tpu.dma_semaphore, #tpu.memory_space<semaphore_mem>>)
    %dma_start3A_64 = arith.constant 5 : i32
    %dma_start3A_65 = arith.constant 5 : i32
    %dma_start3A_66 = arith.constant 0 : i32
    %dma_start3A_67 = arith.constant 0 : i32
    %dma_start3A_68 = tpu.memref_slice %arg6[%dma_start3A_65, %dma_start3A_66, %dma_start3A_67] : memref<8x50x128xf32, #tpu.memory_space<vmem>> -> memref<1x50x128xf32, #tpu.memory_space<vmem>>
    %dma_start3A_69 = tpu.memref_squeeze %dma_start3A_68 : memref<1x50x128xf32, #tpu.memory_space<vmem>> -> memref<50x128xf32, #tpu.memory_space<vmem>>
    %dma_start3A_70 = arith.constant 0 : i32
    %dma_start3A_71 = tpu.memref_slice %arg5[%dma_start3A_64, %dma_start3A_70] : memref<128x56xi32, #tpu.memory_space<vmem>> -> memref<1x50xi32, #tpu.memory_space<vmem>>
    %dma_start3A_72 = tpu.memref_squeeze %dma_start3A_71 : memref<1x50xi32, #tpu.memory_space<vmem>> -> memref<50xi32, #tpu.memory_space<vmem>>
    %dma_start3A_73 = arith.constant 0 : i32
    %dma_start3A_74 = arith.constant 0 : i32
    %dma_start3A_75 = tpu.memref_slice %arg7[%dma_start3A_73, %dma_start3A_74] : memref<1000x128xf32, #tpu.memory_space<vmem_shared>> -> memref<1000x128xf32, #tpu.memory_space<vmem_shared>>
    tpu.enqueue_indirect_dma source(%dma_start3A_75 : memref<1000x128xf32, #tpu.memory_space<vmem_shared>>) target(%dma_start3A_69 : memref<50x128xf32, #tpu.memory_space<vmem>>) offsets(%dma_start3A_72 : memref<50xi32, #tpu.memory_space<vmem>>) semaphore(%arg13 : memref<!tpu.dma_semaphore, #tpu.memory_space<semaphore_mem>>)
    %dma_start3A_76 = arith.constant 6 : i32
    %dma_start3A_77 = arith.constant 6 : i32
    %dma_start3A_78 = arith.constant 0 : i32
    %dma_start3A_79 = arith.constant 0 : i32
    %dma_start3A_80 = tpu.memref_slice %arg6[%dma_start3A_77, %dma_start3A_78, %dma_start3A_79] : memref<8x50x128xf32, #tpu.memory_space<vmem>> -> memref<1x50x128xf32, #tpu.memory_space<vmem>>
    %dma_start3A_81 = tpu.memref_squeeze %dma_start3A_80 : memref<1x50x128xf32, #tpu.memory_space<vmem>> -> memref<50x128xf32, #tpu.memory_space<vmem>>
    %dma_start3A_82 = arith.constant 0 : i32
    %dma_start3A_83 = tpu.memref_slice %arg5[%dma_start3A_76, %dma_start3A_82] : memref<128x56xi32, #tpu.memory_space<vmem>> -> memref<1x50xi32, #tpu.memory_space<vmem>>
    %dma_start3A_84 = tpu.memref_squeeze %dma_start3A_83 : memref<1x50xi32, #tpu.memory_space<vmem>> -> memref<50xi32, #tpu.memory_space<vmem>>
    %dma_start3A_85 = arith.constant 0 : i32
    %dma_start3A_86 = arith.constant 0 : i32
    %dma_start3A_87 = tpu.memref_slice %arg7[%dma_start3A_85, %dma_start3A_86] : memref<1000x128xf32, #tpu.memory_space<vmem_shared>> -> memref<1000x128xf32, #tpu.memory_space<vmem_shared>>
    tpu.enqueue_indirect_dma source(%dma_start3A_87 : memref<1000x128xf32, #tpu.memory_space<vmem_shared>>) target(%dma_start3A_81 : memref<50x128xf32, #tpu.memory_space<vmem>>) offsets(%dma_start3A_84 : memref<50xi32, #tpu.memory_space<vmem>>) semaphore(%arg14 : memref<!tpu.dma_semaphore, #tpu.memory_space<semaphore_mem>>)
    %dma_start3A_88 = arith.constant 7 : i32
    %dma_start3A_89 = arith.constant 7 : i32
    %dma_start3A_90 = arith.constant 0 : i32
    %dma_start3A_91 = arith.constant 0 : i32
    %dma_start3A_92 = tpu.memref_slice %arg6[%dma_start3A_89, %dma_start3A_90, %dma_start3A_91] : memref<8x50x128xf32, #tpu.memory_space<vmem>> -> memref<1x50x128xf32, #tpu.memory_space<vmem>>
    %dma_start3A_93 = tpu.memref_squeeze %dma_start3A_92 : memref<1x50x128xf32, #tpu.memory_space<vmem>> -> memref<50x128xf32, #tpu.memory_space<vmem>>
    %dma_start3A_94 = arith.constant 0 : i32
    %dma_start3A_95 = tpu.memref_slice %arg5[%dma_start3A_88, %dma_start3A_94] : memref<128x56xi32, #tpu.memory_space<vmem>> -> memref<1x50xi32, #tpu.memory_space<vmem>>
    %dma_start3A_96 = tpu.memref_squeeze %dma_start3A_95 : memref<1x50xi32, #tpu.memory_space<vmem>> -> memref<50xi32, #tpu.memory_space<vmem>>
    %dma_start3A_97 = arith.constant 0 : i32
    %dma_start3A_98 = arith.constant 0 : i32
    %dma_start3A_99 = tpu.memref_slice %arg7[%dma_start3A_97, %dma_start3A_98] : memref<1000x128xf32, #tpu.memory_space<vmem_shared>> -> memref<1000x128xf32, #tpu.memory_space<vmem_shared>>
    tpu.enqueue_indirect_dma source(%dma_start3A_99 : memref<1000x128xf32, #tpu.memory_space<vmem_shared>>) target(%dma_start3A_93 : memref<50x128xf32, #tpu.memory_space<vmem>>) offsets(%dma_start3A_96 : memref<50xi32, #tpu.memory_space<vmem>>) semaphore(%arg15 : memref<!tpu.dma_semaphore, #tpu.memory_space<semaphore_mem>>)
    %scan3A = arith.constant 0 : i32
    %scan3A_100 = arith.constant 0 : i32
    %scan3A_101 = arith.constant 15 : i32
    %scan3A_102 = arith.addi %scan3A_100, %scan3A_101 : i32
    %scan3A_103 = arith.constant 1 : i32
    scf.for %scan3A_504 = %scan3A_100 to %scan3A_102 step %scan3A_103  : i32 {
      %mul3A_505 = arith.constant 8 : i32
      %mul3A_506 = arith.muli %scan3A_504, %mul3A_505 : i32
      %add3A_507 = arith.constant 0 : i32
      %add3A_508 = arith.addi %mul3A_506, %add3A_507 : i32
      %dma_wait3A_509 = arith.constant 0 : i32
      %dma_wait3A_510 = arith.constant 0 : i32
      %dma_wait3A_511 = arith.constant 0 : i32
      %dma_wait3A_512 = tpu.memref_slice %arg6[%dma_wait3A_509, %dma_wait3A_510, %dma_wait3A_511] : memref<8x50x128xf32, #tpu.memory_space<vmem>> -> memref<1x50x128xf32, #tpu.memory_space<vmem>>
      %dma_wait3A_513 = tpu.memref_squeeze %dma_wait3A_512 : memref<1x50x128xf32, #tpu.memory_space<vmem>> -> memref<50x128xf32, #tpu.memory_space<vmem>>
      %dma_wait3A_514 = arith.constant 0 : i32
      %dma_wait3A_515 = tpu.memref_slice %arg5[%add3A_508, %dma_wait3A_514] : memref<128x56xi32, #tpu.memory_space<vmem>> -> memref<1x50xi32, #tpu.memory_space<vmem>>
      %dma_wait3A_516 = tpu.memref_squeeze %dma_wait3A_515 : memref<1x50xi32, #tpu.memory_space<vmem>> -> memref<50xi32, #tpu.memory_space<vmem>>
      %dma_wait3A_517 = arith.constant 0 : i32
      %dma_wait3A_518 = arith.constant 0 : i32
      %dma_wait3A_519 = tpu.memref_slice %arg7[%dma_wait3A_517, %dma_wait3A_518] : memref<1000x128xf32, #tpu.memory_space<vmem_shared>> -> memref<1000x128xf32, #tpu.memory_space<vmem_shared>>
      tpu.wait_indirect_dma semaphore(%arg8 : memref<!tpu.dma_semaphore, #tpu.memory_space<semaphore_mem>>) src(%dma_wait3A_519 : memref<1000x128xf32, #tpu.memory_space<vmem_shared>>) dst(%dma_wait3A_513 : memref<50x128xf32, #tpu.memory_space<vmem>>)
      %add3A_520 = arith.constant 0 : i32
      %add3A_521 = arith.addi %mul3A_506, %add3A_520 : i32
      %add3A_522 = arith.addi %mul3A_2, %add3A_521 : i32
      %dma_start3A_523 = arith.constant 0 : i32
      %dma_start3A_524 = arith.constant 0 : i32
      %dma_start3A_525 = arith.constant 0 : i32
      %dma_start3A_526 = tpu.memref_slice %arg6[%dma_start3A_523, %dma_start3A_524, %dma_start3A_525] : memref<8x50x128xf32, #tpu.memory_space<vmem>> -> memref<1x50x128xf32, #tpu.memory_space<vmem>>
      %dma_start3A_527 = tpu.memref_squeeze %dma_start3A_526 : memref<1x50x128xf32, #tpu.memory_space<vmem>> -> memref<50x128xf32, #tpu.memory_space<vmem>>
      %dma_start3A_528 = arith.constant 0 : i32
      %dma_start3A_529 = arith.constant 0 : i32
      %dma_start3A_530 = tpu.memref_slice %arg4[%add3A_522, %dma_start3A_528, %dma_start3A_529] : memref<4096x50x128xf32, #tpu.memory_space<hbm>> -> memref<1x50x128xf32, #tpu.memory_space<hbm>>
      %dma_start3A_531 = tpu.memref_squeeze %dma_start3A_530 : memref<1x50x128xf32, #tpu.memory_space<hbm>> -> memref<50x128xf32, #tpu.memory_space<hbm>>
      %dma_start3A_532 = arith.constant 0 : i32
      %dma_start3A_533 = arith.constant 0 : i32
      %dma_start3A_534 = tpu.memref_slice %arg4[%add3A_522, %dma_start3A_532, %dma_start3A_533] : memref<4096x50x128xf32, #tpu.memory_space<hbm>> -> memref<1x50x128xf32, #tpu.memory_space<hbm>>
      %dma_start3A_535 = tpu.memref_squeeze %dma_start3A_534 : memref<1x50x128xf32, #tpu.memory_space<hbm>> -> memref<50x128xf32, #tpu.memory_space<hbm>>
      %dma_start3A_536 = arith.constant 0 : i32
      %dma_start3A_537 = arith.constant 0 : i32
      %dma_start3A_538 = tpu.memref_slice %arg6[%dma_start3A_523, %dma_start3A_536, %dma_start3A_537] : memref<8x50x128xf32, #tpu.memory_space<vmem>> -> memref<1x50x128xf32, #tpu.memory_space<vmem>>
      %dma_start3A_539 = tpu.memref_squeeze %dma_start3A_538 : memref<1x50x128xf32, #tpu.memory_space<vmem>> -> memref<50x128xf32, #tpu.memory_space<vmem>>
      tpu.enqueue_dma source(%dma_start3A_539 : memref<50x128xf32, #tpu.memory_space<vmem>>) target(%dma_start3A_535 : memref<50x128xf32, #tpu.memory_space<hbm>>) target_semaphore(%arg16 : memref<!tpu.dma_semaphore, #tpu.memory_space<semaphore_mem>>)
      %add3A_540 = arith.constant 1 : i32
      %add3A_541 = arith.addi %mul3A_506, %add3A_540 : i32
      %dma_wait3A_542 = arith.constant 1 : i32
      %dma_wait3A_543 = arith.constant 0 : i32
      %dma_wait3A_544 = arith.constant 0 : i32
      %dma_wait3A_545 = tpu.memref_slice %arg6[%dma_wait3A_542, %dma_wait3A_543, %dma_wait3A_544] : memref<8x50x128xf32, #tpu.memory_space<vmem>> -> memref<1x50x128xf32, #tpu.memory_space<vmem>>
      %dma_wait3A_546 = tpu.memref_squeeze %dma_wait3A_545 : memref<1x50x128xf32, #tpu.memory_space<vmem>> -> memref<50x128xf32, #tpu.memory_space<vmem>>
      %dma_wait3A_547 = arith.constant 0 : i32
      %dma_wait3A_548 = tpu.memref_slice %arg5[%add3A_541, %dma_wait3A_547] : memref<128x56xi32, #tpu.memory_space<vmem>> -> memref<1x50xi32, #tpu.memory_space<vmem>>
      %dma_wait3A_549 = tpu.memref_squeeze %dma_wait3A_548 : memref<1x50xi32, #tpu.memory_space<vmem>> -> memref<50xi32, #tpu.memory_space<vmem>>
      %dma_wait3A_550 = arith.constant 0 : i32
      %dma_wait3A_551 = arith.constant 0 : i32
      %dma_wait3A_552 = tpu.memref_slice %arg7[%dma_wait3A_550, %dma_wait3A_551] : memref<1000x128xf32, #tpu.memory_space<vmem_shared>> -> memref<1000x128xf32, #tpu.memory_space<vmem_shared>>
      tpu.wait_indirect_dma semaphore(%arg9 : memref<!tpu.dma_semaphore, #tpu.memory_space<semaphore_mem>>) src(%dma_wait3A_552 : memref<1000x128xf32, #tpu.memory_space<vmem_shared>>) dst(%dma_wait3A_546 : memref<50x128xf32, #tpu.memory_space<vmem>>)
      %add3A_553 = arith.constant 1 : i32
      %add3A_554 = arith.addi %mul3A_506, %add3A_553 : i32
      %add3A_555 = arith.addi %mul3A_2, %add3A_554 : i32
      %dma_start3A_556 = arith.constant 1 : i32
      %dma_start3A_557 = arith.constant 0 : i32
      %dma_start3A_558 = arith.constant 0 : i32
      %dma_start3A_559 = tpu.memref_slice %arg6[%dma_start3A_556, %dma_start3A_557, %dma_start3A_558] : memref<8x50x128xf32, #tpu.memory_space<vmem>> -> memref<1x50x128xf32, #tpu.memory_space<vmem>>
      %dma_start3A_560 = tpu.memref_squeeze %dma_start3A_559 : memref<1x50x128xf32, #tpu.memory_space<vmem>> -> memref<50x128xf32, #tpu.memory_space<vmem>>
      %dma_start3A_561 = arith.constant 0 : i32
      %dma_start3A_562 = arith.constant 0 : i32
      %dma_start3A_563 = tpu.memref_slice %arg4[%add3A_555, %dma_start3A_561, %dma_start3A_562] : memref<4096x50x128xf32, #tpu.memory_space<hbm>> -> memref<1x50x128xf32, #tpu.memory_space<hbm>>
      %dma_start3A_564 = tpu.memref_squeeze %dma_start3A_563 : memref<1x50x128xf32, #tpu.memory_space<hbm>> -> memref<50x128xf32, #tpu.memory_space<hbm>>
      %dma_start3A_565 = arith.constant 0 : i32
      %dma_start3A_566 = arith.constant 0 : i32
      %dma_start3A_567 = tpu.memref_slice %arg4[%add3A_555, %dma_start3A_565, %dma_start3A_566] : memref<4096x50x128xf32, #tpu.memory_space<hbm>> -> memref<1x50x128xf32, #tpu.memory_space<hbm>>
      %dma_start3A_568 = tpu.memref_squeeze %dma_start3A_567 : memref<1x50x128xf32, #tpu.memory_space<hbm>> -> memref<50x128xf32, #tpu.memory_space<hbm>>
      %dma_start3A_569 = arith.constant 0 : i32
      %dma_start3A_570 = arith.constant 0 : i32
      %dma_start3A_571 = tpu.memref_slice %arg6[%dma_start3A_556, %dma_start3A_569, %dma_start3A_570] : memref<8x50x128xf32, #tpu.memory_space<vmem>> -> memref<1x50x128xf32, #tpu.memory_space<vmem>>
      %dma_start3A_572 = tpu.memref_squeeze %dma_start3A_571 : memref<1x50x128xf32, #tpu.memory_space<vmem>> -> memref<50x128xf32, #tpu.memory_space<vmem>>
      tpu.enqueue_dma source(%dma_start3A_572 : memref<50x128xf32, #tpu.memory_space<vmem>>) target(%dma_start3A_568 : memref<50x128xf32, #tpu.memory_space<hbm>>) target_semaphore(%arg17 : memref<!tpu.dma_semaphore, #tpu.memory_space<semaphore_mem>>)
      %add3A_573 = arith.constant 2 : i32
      %add3A_574 = arith.addi %mul3A_506, %add3A_573 : i32
      %dma_wait3A_575 = arith.constant 2 : i32
      %dma_wait3A_576 = arith.constant 0 : i32
      %dma_wait3A_577 = arith.constant 0 : i32
      %dma_wait3A_578 = tpu.memref_slice %arg6[%dma_wait3A_575, %dma_wait3A_576, %dma_wait3A_577] : memref<8x50x128xf32, #tpu.memory_space<vmem>> -> memref<1x50x128xf32, #tpu.memory_space<vmem>>
      %dma_wait3A_579 = tpu.memref_squeeze %dma_wait3A_578 : memref<1x50x128xf32, #tpu.memory_space<vmem>> -> memref<50x128xf32, #tpu.memory_space<vmem>>
      %dma_wait3A_580 = arith.constant 0 : i32
      %dma_wait3A_581 = tpu.memref_slice %arg5[%add3A_574, %dma_wait3A_580] : memref<128x56xi32, #tpu.memory_space<vmem>> -> memref<1x50xi32, #tpu.memory_space<vmem>>
      %dma_wait3A_582 = tpu.memref_squeeze %dma_wait3A_581 : memref<1x50xi32, #tpu.memory_space<vmem>> -> memref<50xi32, #tpu.memory_space<vmem>>
      %dma_wait3A_583 = arith.constant 0 : i32
      %dma_wait3A_584 = arith.constant 0 : i32
      %dma_wait3A_585 = tpu.memref_slice %arg7[%dma_wait3A_583, %dma_wait3A_584] : memref<1000x128xf32, #tpu.memory_space<vmem_shared>> -> memref<1000x128xf32, #tpu.memory_space<vmem_shared>>
      tpu.wait_indirect_dma semaphore(%arg10 : memref<!tpu.dma_semaphore, #tpu.memory_space<semaphore_mem>>) src(%dma_wait3A_585 : memref<1000x128xf32, #tpu.memory_space<vmem_shared>>) dst(%dma_wait3A_579 : memref<50x128xf32, #tpu.memory_space<vmem>>)
      %add3A_586 = arith.constant 2 : i32
      %add3A_587 = arith.addi %mul3A_506, %add3A_586 : i32
      %add3A_588 = arith.addi %mul3A_2, %add3A_587 : i32
      %dma_start3A_589 = arith.constant 2 : i32
      %dma_start3A_590 = arith.constant 0 : i32
      %dma_start3A_591 = arith.constant 0 : i32
      %dma_start3A_592 = tpu.memref_slice %arg6[%dma_start3A_589, %dma_start3A_590, %dma_start3A_591] : memref<8x50x128xf32, #tpu.memory_space<vmem>> -> memref<1x50x128xf32, #tpu.memory_space<vmem>>
      %dma_start3A_593 = tpu.memref_squeeze %dma_start3A_592 : memref<1x50x128xf32, #tpu.memory_space<vmem>> -> memref<50x128xf32, #tpu.memory_space<vmem>>
      %dma_start3A_594 = arith.constant 0 : i32
      %dma_start3A_595 = arith.constant 0 : i32
      %dma_start3A_596 = tpu.memref_slice %arg4[%add3A_588, %dma_start3A_594, %dma_start3A_595] : memref<4096x50x128xf32, #tpu.memory_space<hbm>> -> memref<1x50x128xf32, #tpu.memory_space<hbm>>
      %dma_start3A_597 = tpu.memref_squeeze %dma_start3A_596 : memref<1x50x128xf32, #tpu.memory_space<hbm>> -> memref<50x128xf32, #tpu.memory_space<hbm>>
      %dma_start3A_598 = arith.constant 0 : i32
      %dma_start3A_599 = arith.constant 0 : i32
      %dma_start3A_600 = tpu.memref_slice %arg4[%add3A_588, %dma_start3A_598, %dma_start3A_599] : memref<4096x50x128xf32, #tpu.memory_space<hbm>> -> memref<1x50x128xf32, #tpu.memory_space<hbm>>
      %dma_start3A_601 = tpu.memref_squeeze %dma_start3A_600 : memref<1x50x128xf32, #tpu.memory_space<hbm>> -> memref<50x128xf32, #tpu.memory_space<hbm>>
      %dma_start3A_602 = arith.constant 0 : i32
      %dma_start3A_603 = arith.constant 0 : i32
      %dma_start3A_604 = tpu.memref_slice %arg6[%dma_start3A_589, %dma_start3A_602, %dma_start3A_603] : memref<8x50x128xf32, #tpu.memory_space<vmem>> -> memref<1x50x128xf32, #tpu.memory_space<vmem>>
      %dma_start3A_605 = tpu.memref_squeeze %dma_start3A_604 : memref<1x50x128xf32, #tpu.memory_space<vmem>> -> memref<50x128xf32, #tpu.memory_space<vmem>>
      tpu.enqueue_dma source(%dma_start3A_605 : memref<50x128xf32, #tpu.memory_space<vmem>>) target(%dma_start3A_601 : memref<50x128xf32, #tpu.memory_space<hbm>>) target_semaphore(%arg18 : memref<!tpu.dma_semaphore, #tpu.memory_space<semaphore_mem>>)
      %add3A_606 = arith.constant 3 : i32
      %add3A_607 = arith.addi %mul3A_506, %add3A_606 : i32
      %dma_wait3A_608 = arith.constant 3 : i32
      %dma_wait3A_609 = arith.constant 0 : i32
      %dma_wait3A_610 = arith.constant 0 : i32
      %dma_wait3A_611 = tpu.memref_slice %arg6[%dma_wait3A_608, %dma_wait3A_609, %dma_wait3A_610] : memref<8x50x128xf32, #tpu.memory_space<vmem>> -> memref<1x50x128xf32, #tpu.memory_space<vmem>>
      %dma_wait3A_612 = tpu.memref_squeeze %dma_wait3A_611 : memref<1x50x128xf32, #tpu.memory_space<vmem>> -> memref<50x128xf32, #tpu.memory_space<vmem>>
      %dma_wait3A_613 = arith.constant 0 : i32
      %dma_wait3A_614 = tpu.memref_slice %arg5[%add3A_607, %dma_wait3A_613] : memref<128x56xi32, #tpu.memory_space<vmem>> -> memref<1x50xi32, #tpu.memory_space<vmem>>
      %dma_wait3A_615 = tpu.memref_squeeze %dma_wait3A_614 : memref<1x50xi32, #tpu.memory_space<vmem>> -> memref<50xi32, #tpu.memory_space<vmem>>
      %dma_wait3A_616 = arith.constant 0 : i32
      %dma_wait3A_617 = arith.constant 0 : i32
      %dma_wait3A_618 = tpu.memref_slice %arg7[%dma_wait3A_616, %dma_wait3A_617] : memref<1000x128xf32, #tpu.memory_space<vmem_shared>> -> memref<1000x128xf32, #tpu.memory_space<vmem_shared>>
      tpu.wait_indirect_dma semaphore(%arg11 : memref<!tpu.dma_semaphore, #tpu.memory_space<semaphore_mem>>) src(%dma_wait3A_618 : memref<1000x128xf32, #tpu.memory_space<vmem_shared>>) dst(%dma_wait3A_612 : memref<50x128xf32, #tpu.memory_space<vmem>>)
      %add3A_619 = arith.constant 3 : i32
      %add3A_620 = arith.addi %mul3A_506, %add3A_619 : i32
      %add3A_621 = arith.addi %mul3A_2, %add3A_620 : i32
      %dma_start3A_622 = arith.constant 3 : i32
      %dma_start3A_623 = arith.constant 0 : i32
      %dma_start3A_624 = arith.constant 0 : i32
      %dma_start3A_625 = tpu.memref_slice %arg6[%dma_start3A_622, %dma_start3A_623, %dma_start3A_624] : memref<8x50x128xf32, #tpu.memory_space<vmem>> -> memref<1x50x128xf32, #tpu.memory_space<vmem>>
      %dma_start3A_626 = tpu.memref_squeeze %dma_start3A_625 : memref<1x50x128xf32, #tpu.memory_space<vmem>> -> memref<50x128xf32, #tpu.memory_space<vmem>>
      %dma_start3A_627 = arith.constant 0 : i32
      %dma_start3A_628 = arith.constant 0 : i32
      %dma_start3A_629 = tpu.memref_slice %arg4[%add3A_621, %dma_start3A_627, %dma_start3A_628] : memref<4096x50x128xf32, #tpu.memory_space<hbm>> -> memref<1x50x128xf32, #tpu.memory_space<hbm>>
      %dma_start3A_630 = tpu.memref_squeeze %dma_start3A_629 : memref<1x50x128xf32, #tpu.memory_space<hbm>> -> memref<50x128xf32, #tpu.memory_space<hbm>>
      %dma_start3A_631 = arith.constant 0 : i32
      %dma_start3A_632 = arith.constant 0 : i32
      %dma_start3A_633 = tpu.memref_slice %arg4[%add3A_621, %dma_start3A_631, %dma_start3A_632] : memref<4096x50x128xf32, #tpu.memory_space<hbm>> -> memref<1x50x128xf32, #tpu.memory_space<hbm>>
      %dma_start3A_634 = tpu.memref_squeeze %dma_start3A_633 : memref<1x50x128xf32, #tpu.memory_space<hbm>> -> memref<50x128xf32, #tpu.memory_space<hbm>>
      %dma_start3A_635 = arith.constant 0 : i32
      %dma_start3A_636 = arith.constant 0 : i32
      %dma_start3A_637 = tpu.memref_slice %arg6[%dma_start3A_622, %dma_start3A_635, %dma_start3A_636] : memref<8x50x128xf32, #tpu.memory_space<vmem>> -> memref<1x50x128xf32, #tpu.memory_space<vmem>>
      %dma_start3A_638 = tpu.memref_squeeze %dma_start3A_637 : memref<1x50x128xf32, #tpu.memory_space<vmem>> -> memref<50x128xf32, #tpu.memory_space<vmem>>
      tpu.enqueue_dma source(%dma_start3A_638 : memref<50x128xf32, #tpu.memory_space<vmem>>) target(%dma_start3A_634 : memref<50x128xf32, #tpu.memory_space<hbm>>) target_semaphore(%arg19 : memref<!tpu.dma_semaphore, #tpu.memory_space<semaphore_mem>>)
      %add3A_639 = arith.constant 4 : i32
      %add3A_640 = arith.addi %mul3A_506, %add3A_639 : i32
      %dma_wait3A_641 = arith.constant 4 : i32
      %dma_wait3A_642 = arith.constant 0 : i32
      %dma_wait3A_643 = arith.constant 0 : i32
      %dma_wait3A_644 = tpu.memref_slice %arg6[%dma_wait3A_641, %dma_wait3A_642, %dma_wait3A_643] : memref<8x50x128xf32, #tpu.memory_space<vmem>> -> memref<1x50x128xf32, #tpu.memory_space<vmem>>
      %dma_wait3A_645 = tpu.memref_squeeze %dma_wait3A_644 : memref<1x50x128xf32, #tpu.memory_space<vmem>> -> memref<50x128xf32, #tpu.memory_space<vmem>>
      %dma_wait3A_646 = arith.constant 0 : i32
      %dma_wait3A_647 = tpu.memref_slice %arg5[%add3A_640, %dma_wait3A_646] : memref<128x56xi32, #tpu.memory_space<vmem>> -> memref<1x50xi32, #tpu.memory_space<vmem>>
      %dma_wait3A_648 = tpu.memref_squeeze %dma_wait3A_647 : memref<1x50xi32, #tpu.memory_space<vmem>> -> memref<50xi32, #tpu.memory_space<vmem>>
      %dma_wait3A_649 = arith.constant 0 : i32
      %dma_wait3A_650 = arith.constant 0 : i32
      %dma_wait3A_651 = tpu.memref_slice %arg7[%dma_wait3A_649, %dma_wait3A_650] : memref<1000x128xf32, #tpu.memory_space<vmem_shared>> -> memref<1000x128xf32, #tpu.memory_space<vmem_shared>>
      tpu.wait_indirect_dma semaphore(%arg12 : memref<!tpu.dma_semaphore, #tpu.memory_space<semaphore_mem>>) src(%dma_wait3A_651 : memref<1000x128xf32, #tpu.memory_space<vmem_shared>>) dst(%dma_wait3A_645 : memref<50x128xf32, #tpu.memory_space<vmem>>)
      %add3A_652 = arith.constant 4 : i32
      %add3A_653 = arith.addi %mul3A_506, %add3A_652 : i32
      %add3A_654 = arith.addi %mul3A_2, %add3A_653 : i32
      %dma_start3A_655 = arith.constant 4 : i32
      %dma_start3A_656 = arith.constant 0 : i32
      %dma_start3A_657 = arith.constant 0 : i32
      %dma_start3A_658 = tpu.memref_slice %arg6[%dma_start3A_655, %dma_start3A_656, %dma_start3A_657] : memref<8x50x128xf32, #tpu.memory_space<vmem>> -> memref<1x50x128xf32, #tpu.memory_space<vmem>>
      %dma_start3A_659 = tpu.memref_squeeze %dma_start3A_658 : memref<1x50x128xf32, #tpu.memory_space<vmem>> -> memref<50x128xf32, #tpu.memory_space<vmem>>
      %dma_start3A_660 = arith.constant 0 : i32
      %dma_start3A_661 = arith.constant 0 : i32
      %dma_start3A_662 = tpu.memref_slice %arg4[%add3A_654, %dma_start3A_660, %dma_start3A_661] : memref<4096x50x128xf32, #tpu.memory_space<hbm>> -> memref<1x50x128xf32, #tpu.memory_space<hbm>>
      %dma_start3A_663 = tpu.memref_squeeze %dma_start3A_662 : memref<1x50x128xf32, #tpu.memory_space<hbm>> -> memref<50x128xf32, #tpu.memory_space<hbm>>
      %dma_start3A_664 = arith.constant 0 : i32
      %dma_start3A_665 = arith.constant 0 : i32
      %dma_start3A_666 = tpu.memref_slice %arg4[%add3A_654, %dma_start3A_664, %dma_start3A_665] : memref<4096x50x128xf32, #tpu.memory_space<hbm>> -> memref<1x50x128xf32, #tpu.memory_space<hbm>>
      %dma_start3A_667 = tpu.memref_squeeze %dma_start3A_666 : memref<1x50x128xf32, #tpu.memory_space<hbm>> -> memref<50x128xf32, #tpu.memory_space<hbm>>
      %dma_start3A_668 = arith.constant 0 : i32
      %dma_start3A_669 = arith.constant 0 : i32
      %dma_start3A_670 = tpu.memref_slice %arg6[%dma_start3A_655, %dma_start3A_668, %dma_start3A_669] : memref<8x50x128xf32, #tpu.memory_space<vmem>> -> memref<1x50x128xf32, #tpu.memory_space<vmem>>
      %dma_start3A_671 = tpu.memref_squeeze %dma_start3A_670 : memref<1x50x128xf32, #tpu.memory_space<vmem>> -> memref<50x128xf32, #tpu.memory_space<vmem>>
      tpu.enqueue_dma source(%dma_start3A_671 : memref<50x128xf32, #tpu.memory_space<vmem>>) target(%dma_start3A_667 : memref<50x128xf32, #tpu.memory_space<hbm>>) target_semaphore(%arg20 : memref<!tpu.dma_semaphore, #tpu.memory_space<semaphore_mem>>)
      %add3A_672 = arith.constant 5 : i32
      %add3A_673 = arith.addi %mul3A_506, %add3A_672 : i32
      %dma_wait3A_674 = arith.constant 5 : i32
      %dma_wait3A_675 = arith.constant 0 : i32
      %dma_wait3A_676 = arith.constant 0 : i32
      %dma_wait3A_677 = tpu.memref_slice %arg6[%dma_wait3A_674, %dma_wait3A_675, %dma_wait3A_676] : memref<8x50x128xf32, #tpu.memory_space<vmem>> -> memref<1x50x128xf32, #tpu.memory_space<vmem>>
      %dma_wait3A_678 = tpu.memref_squeeze %dma_wait3A_677 : memref<1x50x128xf32, #tpu.memory_space<vmem>> -> memref<50x128xf32, #tpu.memory_space<vmem>>
      %dma_wait3A_679 = arith.constant 0 : i32
      %dma_wait3A_680 = tpu.memref_slice %arg5[%add3A_673, %dma_wait3A_679] : memref<128x56xi32, #tpu.memory_space<vmem>> -> memref<1x50xi32, #tpu.memory_space<vmem>>
      %dma_wait3A_681 = tpu.memref_squeeze %dma_wait3A_680 : memref<1x50xi32, #tpu.memory_space<vmem>> -> memref<50xi32, #tpu.memory_space<vmem>>
      %dma_wait3A_682 = arith.constant 0 : i32
      %dma_wait3A_683 = arith.constant 0 : i32
      %dma_wait3A_684 = tpu.memref_slice %arg7[%dma_wait3A_682, %dma_wait3A_683] : memref<1000x128xf32, #tpu.memory_space<vmem_shared>> -> memref<1000x128xf32, #tpu.memory_space<vmem_shared>>
      tpu.wait_indirect_dma semaphore(%arg13 : memref<!tpu.dma_semaphore, #tpu.memory_space<semaphore_mem>>) src(%dma_wait3A_684 : memref<1000x128xf32, #tpu.memory_space<vmem_shared>>) dst(%dma_wait3A_678 : memref<50x128xf32, #tpu.memory_space<vmem>>)
      %add3A_685 = arith.constant 5 : i32
      %add3A_686 = arith.addi %mul3A_506, %add3A_685 : i32
      %add3A_687 = arith.addi %mul3A_2, %add3A_686 : i32
      %dma_start3A_688 = arith.constant 5 : i32
      %dma_start3A_689 = arith.constant 0 : i32
      %dma_start3A_690 = arith.constant 0 : i32
      %dma_start3A_691 = tpu.memref_slice %arg6[%dma_start3A_688, %dma_start3A_689, %dma_start3A_690] : memref<8x50x128xf32, #tpu.memory_space<vmem>> -> memref<1x50x128xf32, #tpu.memory_space<vmem>>
      %dma_start3A_692 = tpu.memref_squeeze %dma_start3A_691 : memref<1x50x128xf32, #tpu.memory_space<vmem>> -> memref<50x128xf32, #tpu.memory_space<vmem>>
      %dma_start3A_693 = arith.constant 0 : i32
      %dma_start3A_694 = arith.constant 0 : i32
      %dma_start3A_695 = tpu.memref_slice %arg4[%add3A_687, %dma_start3A_693, %dma_start3A_694] : memref<4096x50x128xf32, #tpu.memory_space<hbm>> -> memref<1x50x128xf32, #tpu.memory_space<hbm>>
      %dma_start3A_696 = tpu.memref_squeeze %dma_start3A_695 : memref<1x50x128xf32, #tpu.memory_space<hbm>> -> memref<50x128xf32, #tpu.memory_space<hbm>>
      %dma_start3A_697 = arith.constant 0 : i32
      %dma_start3A_698 = arith.constant 0 : i32
      %dma_start3A_699 = tpu.memref_slice %arg4[%add3A_687, %dma_start3A_697, %dma_start3A_698] : memref<4096x50x128xf32, #tpu.memory_space<hbm>> -> memref<1x50x128xf32, #tpu.memory_space<hbm>>
      %dma_start3A_700 = tpu.memref_squeeze %dma_start3A_699 : memref<1x50x128xf32, #tpu.memory_space<hbm>> -> memref<50x128xf32, #tpu.memory_space<hbm>>
      %dma_start3A_701 = arith.constant 0 : i32
      %dma_start3A_702 = arith.constant 0 : i32
      %dma_start3A_703 = tpu.memref_slice %arg6[%dma_start3A_688, %dma_start3A_701, %dma_start3A_702] : memref<8x50x128xf32, #tpu.memory_space<vmem>> -> memref<1x50x128xf32, #tpu.memory_space<vmem>>
      %dma_start3A_704 = tpu.memref_squeeze %dma_start3A_703 : memref<1x50x128xf32, #tpu.memory_space<vmem>> -> memref<50x128xf32, #tpu.memory_space<vmem>>
      tpu.enqueue_dma source(%dma_start3A_704 : memref<50x128xf32, #tpu.memory_space<vmem>>) target(%dma_start3A_700 : memref<50x128xf32, #tpu.memory_space<hbm>>) target_semaphore(%arg21 : memref<!tpu.dma_semaphore, #tpu.memory_space<semaphore_mem>>)
      %add3A_705 = arith.constant 6 : i32
      %add3A_706 = arith.addi %mul3A_506, %add3A_705 : i32
      %dma_wait3A_707 = arith.constant 6 : i32
      %dma_wait3A_708 = arith.constant 0 : i32
      %dma_wait3A_709 = arith.constant 0 : i32
      %dma_wait3A_710 = tpu.memref_slice %arg6[%dma_wait3A_707, %dma_wait3A_708, %dma_wait3A_709] : memref<8x50x128xf32, #tpu.memory_space<vmem>> -> memref<1x50x128xf32, #tpu.memory_space<vmem>>
      %dma_wait3A_711 = tpu.memref_squeeze %dma_wait3A_710 : memref<1x50x128xf32, #tpu.memory_space<vmem>> -> memref<50x128xf32, #tpu.memory_space<vmem>>
      %dma_wait3A_712 = arith.constant 0 : i32
      %dma_wait3A_713 = tpu.memref_slice %arg5[%add3A_706, %dma_wait3A_712] : memref<128x56xi32, #tpu.memory_space<vmem>> -> memref<1x50xi32, #tpu.memory_space<vmem>>
      %dma_wait3A_714 = tpu.memref_squeeze %dma_wait3A_713 : memref<1x50xi32, #tpu.memory_space<vmem>> -> memref<50xi32, #tpu.memory_space<vmem>>
      %dma_wait3A_715 = arith.constant 0 : i32
      %dma_wait3A_716 = arith.constant 0 : i32
      %dma_wait3A_717 = tpu.memref_slice %arg7[%dma_wait3A_715, %dma_wait3A_716] : memref<1000x128xf32, #tpu.memory_space<vmem_shared>> -> memref<1000x128xf32, #tpu.memory_space<vmem_shared>>
      tpu.wait_indirect_dma semaphore(%arg14 : memref<!tpu.dma_semaphore, #tpu.memory_space<semaphore_mem>>) src(%dma_wait3A_717 : memref<1000x128xf32, #tpu.memory_space<vmem_shared>>) dst(%dma_wait3A_711 : memref<50x128xf32, #tpu.memory_space<vmem>>)
      %add3A_718 = arith.constant 6 : i32
      %add3A_719 = arith.addi %mul3A_506, %add3A_718 : i32
      %add3A_720 = arith.addi %mul3A_2, %add3A_719 : i32
      %dma_start3A_721 = arith.constant 6 : i32
      %dma_start3A_722 = arith.constant 0 : i32
      %dma_start3A_723 = arith.constant 0 : i32
      %dma_start3A_724 = tpu.memref_slice %arg6[%dma_start3A_721, %dma_start3A_722, %dma_start3A_723] : memref<8x50x128xf32, #tpu.memory_space<vmem>> -> memref<1x50x128xf32, #tpu.memory_space<vmem>>
      %dma_start3A_725 = tpu.memref_squeeze %dma_start3A_724 : memref<1x50x128xf32, #tpu.memory_space<vmem>> -> memref<50x128xf32, #tpu.memory_space<vmem>>
      %dma_start3A_726 = arith.constant 0 : i32
      %dma_start3A_727 = arith.constant 0 : i32
      %dma_start3A_728 = tpu.memref_slice %arg4[%add3A_720, %dma_start3A_726, %dma_start3A_727] : memref<4096x50x128xf32, #tpu.memory_space<hbm>> -> memref<1x50x128xf32, #tpu.memory_space<hbm>>
      %dma_start3A_729 = tpu.memref_squeeze %dma_start3A_728 : memref<1x50x128xf32, #tpu.memory_space<hbm>> -> memref<50x128xf32, #tpu.memory_space<hbm>>
      %dma_start3A_730 = arith.constant 0 : i32
      %dma_start3A_731 = arith.constant 0 : i32
      %dma_start3A_732 = tpu.memref_slice %arg4[%add3A_720, %dma_start3A_730, %dma_start3A_731] : memref<4096x50x128xf32, #tpu.memory_space<hbm>> -> memref<1x50x128xf32, #tpu.memory_space<hbm>>
      %dma_start3A_733 = tpu.memref_squeeze %dma_start3A_732 : memref<1x50x128xf32, #tpu.memory_space<hbm>> -> memref<50x128xf32, #tpu.memory_space<hbm>>
      %dma_start3A_734 = arith.constant 0 : i32
      %dma_start3A_735 = arith.constant 0 : i32
      %dma_start3A_736 = tpu.memref_slice %arg6[%dma_start3A_721, %dma_start3A_734, %dma_start3A_735] : memref<8x50x128xf32, #tpu.memory_space<vmem>> -> memref<1x50x128xf32, #tpu.memory_space<vmem>>
      %dma_start3A_737 = tpu.memref_squeeze %dma_start3A_736 : memref<1x50x128xf32, #tpu.memory_space<vmem>> -> memref<50x128xf32, #tpu.memory_space<vmem>>
      tpu.enqueue_dma source(%dma_start3A_737 : memref<50x128xf32, #tpu.memory_space<vmem>>) target(%dma_start3A_733 : memref<50x128xf32, #tpu.memory_space<hbm>>) target_semaphore(%arg22 : memref<!tpu.dma_semaphore, #tpu.memory_space<semaphore_mem>>)
      %add3A_738 = arith.constant 7 : i32
      %add3A_739 = arith.addi %mul3A_506, %add3A_738 : i32
      %dma_wait3A_740 = arith.constant 7 : i32
      %dma_wait3A_741 = arith.constant 0 : i32
      %dma_wait3A_742 = arith.constant 0 : i32
      %dma_wait3A_743 = tpu.memref_slice %arg6[%dma_wait3A_740, %dma_wait3A_741, %dma_wait3A_742] : memref<8x50x128xf32, #tpu.memory_space<vmem>> -> memref<1x50x128xf32, #tpu.memory_space<vmem>>
      %dma_wait3A_744 = tpu.memref_squeeze %dma_wait3A_743 : memref<1x50x128xf32, #tpu.memory_space<vmem>> -> memref<50x128xf32, #tpu.memory_space<vmem>>
      %dma_wait3A_745 = arith.constant 0 : i32
      %dma_wait3A_746 = tpu.memref_slice %arg5[%add3A_739, %dma_wait3A_745] : memref<128x56xi32, #tpu.memory_space<vmem>> -> memref<1x50xi32, #tpu.memory_space<vmem>>
      %dma_wait3A_747 = tpu.memref_squeeze %dma_wait3A_746 : memref<1x50xi32, #tpu.memory_space<vmem>> -> memref<50xi32, #tpu.memory_space<vmem>>
      %dma_wait3A_748 = arith.constant 0 : i32
      %dma_wait3A_749 = arith.constant 0 : i32
      %dma_wait3A_750 = tpu.memref_slice %arg7[%dma_wait3A_748, %dma_wait3A_749] : memref<1000x128xf32, #tpu.memory_space<vmem_shared>> -> memref<1000x128xf32, #tpu.memory_space<vmem_shared>>
      tpu.wait_indirect_dma semaphore(%arg15 : memref<!tpu.dma_semaphore, #tpu.memory_space<semaphore_mem>>) src(%dma_wait3A_750 : memref<1000x128xf32, #tpu.memory_space<vmem_shared>>) dst(%dma_wait3A_744 : memref<50x128xf32, #tpu.memory_space<vmem>>)
      %add3A_751 = arith.constant 7 : i32
      %add3A_752 = arith.addi %mul3A_506, %add3A_751 : i32
      %add3A_753 = arith.addi %mul3A_2, %add3A_752 : i32
      %dma_start3A_754 = arith.constant 7 : i32
      %dma_start3A_755 = arith.constant 0 : i32
      %dma_start3A_756 = arith.constant 0 : i32
      %dma_start3A_757 = tpu.memref_slice %arg6[%dma_start3A_754, %dma_start3A_755, %dma_start3A_756] : memref<8x50x128xf32, #tpu.memory_space<vmem>> -> memref<1x50x128xf32, #tpu.memory_space<vmem>>
      %dma_start3A_758 = tpu.memref_squeeze %dma_start3A_757 : memref<1x50x128xf32, #tpu.memory_space<vmem>> -> memref<50x128xf32, #tpu.memory_space<vmem>>
      %dma_start3A_759 = arith.constant 0 : i32
      %dma_start3A_760 = arith.constant 0 : i32
      %dma_start3A_761 = tpu.memref_slice %arg4[%add3A_753, %dma_start3A_759, %dma_start3A_760] : memref<4096x50x128xf32, #tpu.memory_space<hbm>> -> memref<1x50x128xf32, #tpu.memory_space<hbm>>
      %dma_start3A_762 = tpu.memref_squeeze %dma_start3A_761 : memref<1x50x128xf32, #tpu.memory_space<hbm>> -> memref<50x128xf32, #tpu.memory_space<hbm>>
      %dma_start3A_763 = arith.constant 0 : i32
      %dma_start3A_764 = arith.constant 0 : i32
      %dma_start3A_765 = tpu.memref_slice %arg4[%add3A_753, %dma_start3A_763, %dma_start3A_764] : memref<4096x50x128xf32, #tpu.memory_space<hbm>> -> memref<1x50x128xf32, #tpu.memory_space<hbm>>
      %dma_start3A_766 = tpu.memref_squeeze %dma_start3A_765 : memref<1x50x128xf32, #tpu.memory_space<hbm>> -> memref<50x128xf32, #tpu.memory_space<hbm>>
      %dma_start3A_767 = arith.constant 0 : i32
      %dma_start3A_768 = arith.constant 0 : i32
      %dma_start3A_769 = tpu.memref_slice %arg6[%dma_start3A_754, %dma_start3A_767, %dma_start3A_768] : memref<8x50x128xf32, #tpu.memory_space<vmem>> -> memref<1x50x128xf32, #tpu.memory_space<vmem>>
      %dma_start3A_770 = tpu.memref_squeeze %dma_start3A_769 : memref<1x50x128xf32, #tpu.memory_space<vmem>> -> memref<50x128xf32, #tpu.memory_space<vmem>>
      tpu.enqueue_dma source(%dma_start3A_770 : memref<50x128xf32, #tpu.memory_space<vmem>>) target(%dma_start3A_766 : memref<50x128xf32, #tpu.memory_space<hbm>>) target_semaphore(%arg23 : memref<!tpu.dma_semaphore, #tpu.memory_space<semaphore_mem>>)
      %add3A_771 = arith.constant 0 : i32
      %add3A_772 = arith.addi %mul3A_506, %add3A_771 : i32
      %add3A_773 = arith.addi %mul3A_2, %add3A_772 : i32
      %dma_wait3A_774 = arith.constant 0 : i32
      %dma_wait3A_775 = arith.constant 0 : i32
      %dma_wait3A_776 = arith.constant 0 : i32
      %dma_wait3A_777 = tpu.memref_slice %arg6[%dma_wait3A_774, %dma_wait3A_775, %dma_wait3A_776] : memref<8x50x128xf32, #tpu.memory_space<vmem>> -> memref<1x50x128xf32, #tpu.memory_space<vmem>>
      %dma_wait3A_778 = tpu.memref_squeeze %dma_wait3A_777 : memref<1x50x128xf32, #tpu.memory_space<vmem>> -> memref<50x128xf32, #tpu.memory_space<vmem>>
      %dma_wait3A_779 = arith.constant 0 : i32
      %dma_wait3A_780 = arith.constant 0 : i32
      %dma_wait3A_781 = tpu.memref_slice %arg4[%add3A_773, %dma_wait3A_779, %dma_wait3A_780] : memref<4096x50x128xf32, #tpu.memory_space<hbm>> -> memref<1x50x128xf32, #tpu.memory_space<hbm>>
      %dma_wait3A_782 = tpu.memref_squeeze %dma_wait3A_781 : memref<1x50x128xf32, #tpu.memory_space<hbm>> -> memref<50x128xf32, #tpu.memory_space<hbm>>
      %dma_wait3A_783 = arith.constant 0 : i32
      %dma_wait3A_784 = arith.constant 0 : i32
      %dma_wait3A_785 = tpu.memref_slice %arg4[%add3A_773, %dma_wait3A_783, %dma_wait3A_784] : memref<4096x50x128xf32, #tpu.memory_space<hbm>> -> memref<1x50x128xf32, #tpu.memory_space<hbm>>
      %dma_wait3A_786 = tpu.memref_squeeze %dma_wait3A_785 : memref<1x50x128xf32, #tpu.memory_space<hbm>> -> memref<50x128xf32, #tpu.memory_space<hbm>>
      %dma_wait3A_787 = arith.constant 0 : i32
      %dma_wait3A_788 = arith.constant 0 : i32
      %dma_wait3A_789 = tpu.memref_slice %arg6[%dma_wait3A_774, %dma_wait3A_787, %dma_wait3A_788] : memref<8x50x128xf32, #tpu.memory_space<vmem>> -> memref<1x50x128xf32, #tpu.memory_space<vmem>>
      %dma_wait3A_790 = tpu.memref_squeeze %dma_wait3A_789 : memref<1x50x128xf32, #tpu.memory_space<vmem>> -> memref<50x128xf32, #tpu.memory_space<vmem>>
      tpu.wait_dma2 semaphore(%arg16 : memref<!tpu.dma_semaphore, #tpu.memory_space<semaphore_mem>>) src(%dma_wait3A_790 : memref<50x128xf32, #tpu.memory_space<vmem>>) dst(%dma_wait3A_786 : memref<50x128xf32, #tpu.memory_space<hbm>>)
      %add3A_791 = arith.constant 8 : i32
      %add3A_792 = arith.addi %mul3A_506, %add3A_791 : i32
      %add3A_793 = arith.constant 0 : i32
      %add3A_794 = arith.addi %add3A_792, %add3A_793 : i32
      %dma_start3A_795 = arith.constant 0 : i32
      %dma_start3A_796 = arith.constant 0 : i32
      %dma_start3A_797 = arith.constant 0 : i32
      %dma_start3A_798 = tpu.memref_slice %arg6[%dma_start3A_795, %dma_start3A_796, %dma_start3A_797] : memref<8x50x128xf32, #tpu.memory_space<vmem>> -> memref<1x50x128xf32, #tpu.memory_space<vmem>>
      %dma_start3A_799 = tpu.memref_squeeze %dma_start3A_798 : memref<1x50x128xf32, #tpu.memory_space<vmem>> -> memref<50x128xf32, #tpu.memory_space<vmem>>
      %dma_start3A_800 = arith.constant 0 : i32
      %dma_start3A_801 = tpu.memref_slice %arg5[%add3A_794, %dma_start3A_800] : memref<128x56xi32, #tpu.memory_space<vmem>> -> memref<1x50xi32, #tpu.memory_space<vmem>>
      %dma_start3A_802 = tpu.memref_squeeze %dma_start3A_801 : memref<1x50xi32, #tpu.memory_space<vmem>> -> memref<50xi32, #tpu.memory_space<vmem>>
      %dma_start3A_803 = arith.constant 0 : i32
      %dma_start3A_804 = arith.constant 0 : i32
      %dma_start3A_805 = tpu.memref_slice %arg7[%dma_start3A_803, %dma_start3A_804] : memref<1000x128xf32, #tpu.memory_space<vmem_shared>> -> memref<1000x128xf32, #tpu.memory_space<vmem_shared>>
      tpu.enqueue_indirect_dma source(%dma_start3A_805 : memref<1000x128xf32, #tpu.memory_space<vmem_shared>>) target(%dma_start3A_799 : memref<50x128xf32, #tpu.memory_space<vmem>>) offsets(%dma_start3A_802 : memref<50xi32, #tpu.memory_space<vmem>>) semaphore(%arg8 : memref<!tpu.dma_semaphore, #tpu.memory_space<semaphore_mem>>)
      %add3A_806 = arith.constant 1 : i32
      %add3A_807 = arith.addi %mul3A_506, %add3A_806 : i32
      %add3A_808 = arith.addi %mul3A_2, %add3A_807 : i32
      %dma_wait3A_809 = arith.constant 1 : i32
      %dma_wait3A_810 = arith.constant 0 : i32
      %dma_wait3A_811 = arith.constant 0 : i32
      %dma_wait3A_812 = tpu.memref_slice %arg6[%dma_wait3A_809, %dma_wait3A_810, %dma_wait3A_811] : memref<8x50x128xf32, #tpu.memory_space<vmem>> -> memref<1x50x128xf32, #tpu.memory_space<vmem>>
      %dma_wait3A_813 = tpu.memref_squeeze %dma_wait3A_812 : memref<1x50x128xf32, #tpu.memory_space<vmem>> -> memref<50x128xf32, #tpu.memory_space<vmem>>
      %dma_wait3A_814 = arith.constant 0 : i32
      %dma_wait3A_815 = arith.constant 0 : i32
      %dma_wait3A_816 = tpu.memref_slice %arg4[%add3A_808, %dma_wait3A_814, %dma_wait3A_815] : memref<4096x50x128xf32, #tpu.memory_space<hbm>> -> memref<1x50x128xf32, #tpu.memory_space<hbm>>
      %dma_wait3A_817 = tpu.memref_squeeze %dma_wait3A_816 : memref<1x50x128xf32, #tpu.memory_space<hbm>> -> memref<50x128xf32, #tpu.memory_space<hbm>>
      %dma_wait3A_818 = arith.constant 0 : i32
      %dma_wait3A_819 = arith.constant 0 : i32
      %dma_wait3A_820 = tpu.memref_slice %arg4[%add3A_808, %dma_wait3A_818, %dma_wait3A_819] : memref<4096x50x128xf32, #tpu.memory_space<hbm>> -> memref<1x50x128xf32, #tpu.memory_space<hbm>>
      %dma_wait3A_821 = tpu.memref_squeeze %dma_wait3A_820 : memref<1x50x128xf32, #tpu.memory_space<hbm>> -> memref<50x128xf32, #tpu.memory_space<hbm>>
      %dma_wait3A_822 = arith.constant 0 : i32
      %dma_wait3A_823 = arith.constant 0 : i32
      %dma_wait3A_824 = tpu.memref_slice %arg6[%dma_wait3A_809, %dma_wait3A_822, %dma_wait3A_823] : memref<8x50x128xf32, #tpu.memory_space<vmem>> -> memref<1x50x128xf32, #tpu.memory_space<vmem>>
      %dma_wait3A_825 = tpu.memref_squeeze %dma_wait3A_824 : memref<1x50x128xf32, #tpu.memory_space<vmem>> -> memref<50x128xf32, #tpu.memory_space<vmem>>
      tpu.wait_dma2 semaphore(%arg17 : memref<!tpu.dma_semaphore, #tpu.memory_space<semaphore_mem>>) src(%dma_wait3A_825 : memref<50x128xf32, #tpu.memory_space<vmem>>) dst(%dma_wait3A_821 : memref<50x128xf32, #tpu.memory_space<hbm>>)
      %add3A_826 = arith.constant 8 : i32
      %add3A_827 = arith.addi %mul3A_506, %add3A_826 : i32
      %add3A_828 = arith.constant 1 : i32
      %add3A_829 = arith.addi %add3A_827, %add3A_828 : i32
      %dma_start3A_830 = arith.constant 1 : i32
      %dma_start3A_831 = arith.constant 0 : i32
      %dma_start3A_832 = arith.constant 0 : i32
      %dma_start3A_833 = tpu.memref_slice %arg6[%dma_start3A_830, %dma_start3A_831, %dma_start3A_832] : memref<8x50x128xf32, #tpu.memory_space<vmem>> -> memref<1x50x128xf32, #tpu.memory_space<vmem>>
      %dma_start3A_834 = tpu.memref_squeeze %dma_start3A_833 : memref<1x50x128xf32, #tpu.memory_space<vmem>> -> memref<50x128xf32, #tpu.memory_space<vmem>>
      %dma_start3A_835 = arith.constant 0 : i32
      %dma_start3A_836 = tpu.memref_slice %arg5[%add3A_829, %dma_start3A_835] : memref<128x56xi32, #tpu.memory_space<vmem>> -> memref<1x50xi32, #tpu.memory_space<vmem>>
      %dma_start3A_837 = tpu.memref_squeeze %dma_start3A_836 : memref<1x50xi32, #tpu.memory_space<vmem>> -> memref<50xi32, #tpu.memory_space<vmem>>
      %dma_start3A_838 = arith.constant 0 : i32
      %dma_start3A_839 = arith.constant 0 : i32
      %dma_start3A_840 = tpu.memref_slice %arg7[%dma_start3A_838, %dma_start3A_839] : memref<1000x128xf32, #tpu.memory_space<vmem_shared>> -> memref<1000x128xf32, #tpu.memory_space<vmem_shared>>
      tpu.enqueue_indirect_dma source(%dma_start3A_840 : memref<1000x128xf32, #tpu.memory_space<vmem_shared>>) target(%dma_start3A_834 : memref<50x128xf32, #tpu.memory_space<vmem>>) offsets(%dma_start3A_837 : memref<50xi32, #tpu.memory_space<vmem>>) semaphore(%arg9 : memref<!tpu.dma_semaphore, #tpu.memory_space<semaphore_mem>>)
      %add3A_841 = arith.constant 2 : i32
      %add3A_842 = arith.addi %mul3A_506, %add3A_841 : i32
      %add3A_843 = arith.addi %mul3A_2, %add3A_842 : i32
      %dma_wait3A_844 = arith.constant 2 : i32
      %dma_wait3A_845 = arith.constant 0 : i32
      %dma_wait3A_846 = arith.constant 0 : i32
      %dma_wait3A_847 = tpu.memref_slice %arg6[%dma_wait3A_844, %dma_wait3A_845, %dma_wait3A_846] : memref<8x50x128xf32, #tpu.memory_space<vmem>> -> memref<1x50x128xf32, #tpu.memory_space<vmem>>
      %dma_wait3A_848 = tpu.memref_squeeze %dma_wait3A_847 : memref<1x50x128xf32, #tpu.memory_space<vmem>> -> memref<50x128xf32, #tpu.memory_space<vmem>>
      %dma_wait3A_849 = arith.constant 0 : i32
      %dma_wait3A_850 = arith.constant 0 : i32
      %dma_wait3A_851 = tpu.memref_slice %arg4[%add3A_843, %dma_wait3A_849, %dma_wait3A_850] : memref<4096x50x128xf32, #tpu.memory_space<hbm>> -> memref<1x50x128xf32, #tpu.memory_space<hbm>>
      %dma_wait3A_852 = tpu.memref_squeeze %dma_wait3A_851 : memref<1x50x128xf32, #tpu.memory_space<hbm>> -> memref<50x128xf32, #tpu.memory_space<hbm>>
      %dma_wait3A_853 = arith.constant 0 : i32
      %dma_wait3A_854 = arith.constant 0 : i32
      %dma_wait3A_855 = tpu.memref_slice %arg4[%add3A_843, %dma_wait3A_853, %dma_wait3A_854] : memref<4096x50x128xf32, #tpu.memory_space<hbm>> -> memref<1x50x128xf32, #tpu.memory_space<hbm>>
      %dma_wait3A_856 = tpu.memref_squeeze %dma_wait3A_855 : memref<1x50x128xf32, #tpu.memory_space<hbm>> -> memref<50x128xf32, #tpu.memory_space<hbm>>
      %dma_wait3A_857 = arith.constant 0 : i32
      %dma_wait3A_858 = arith.constant 0 : i32
      %dma_wait3A_859 = tpu.memref_slice %arg6[%dma_wait3A_844, %dma_wait3A_857, %dma_wait3A_858] : memref<8x50x128xf32, #tpu.memory_space<vmem>> -> memref<1x50x128xf32, #tpu.memory_space<vmem>>
      %dma_wait3A_860 = tpu.memref_squeeze %dma_wait3A_859 : memref<1x50x128xf32, #tpu.memory_space<vmem>> -> memref<50x128xf32, #tpu.memory_space<vmem>>
      tpu.wait_dma2 semaphore(%arg18 : memref<!tpu.dma_semaphore, #tpu.memory_space<semaphore_mem>>) src(%dma_wait3A_860 : memref<50x128xf32, #tpu.memory_space<vmem>>) dst(%dma_wait3A_856 : memref<50x128xf32, #tpu.memory_space<hbm>>)
      %add3A_861 = arith.constant 8 : i32
      %add3A_862 = arith.addi %mul3A_506, %add3A_861 : i32
      %add3A_863 = arith.constant 2 : i32
      %add3A_864 = arith.addi %add3A_862, %add3A_863 : i32
      %dma_start3A_865 = arith.constant 2 : i32
      %dma_start3A_866 = arith.constant 0 : i32
      %dma_start3A_867 = arith.constant 0 : i32
      %dma_start3A_868 = tpu.memref_slice %arg6[%dma_start3A_865, %dma_start3A_866, %dma_start3A_867] : memref<8x50x128xf32, #tpu.memory_space<vmem>> -> memref<1x50x128xf32, #tpu.memory_space<vmem>>
      %dma_start3A_869 = tpu.memref_squeeze %dma_start3A_868 : memref<1x50x128xf32, #tpu.memory_space<vmem>> -> memref<50x128xf32, #tpu.memory_space<vmem>>
      %dma_start3A_870 = arith.constant 0 : i32
      %dma_start3A_871 = tpu.memref_slice %arg5[%add3A_864, %dma_start3A_870] : memref<128x56xi32, #tpu.memory_space<vmem>> -> memref<1x50xi32, #tpu.memory_space<vmem>>
      %dma_start3A_872 = tpu.memref_squeeze %dma_start3A_871 : memref<1x50xi32, #tpu.memory_space<vmem>> -> memref<50xi32, #tpu.memory_space<vmem>>
      %dma_start3A_873 = arith.constant 0 : i32
      %dma_start3A_874 = arith.constant 0 : i32
      %dma_start3A_875 = tpu.memref_slice %arg7[%dma_start3A_873, %dma_start3A_874] : memref<1000x128xf32, #tpu.memory_space<vmem_shared>> -> memref<1000x128xf32, #tpu.memory_space<vmem_shared>>
      tpu.enqueue_indirect_dma source(%dma_start3A_875 : memref<1000x128xf32, #tpu.memory_space<vmem_shared>>) target(%dma_start3A_869 : memref<50x128xf32, #tpu.memory_space<vmem>>) offsets(%dma_start3A_872 : memref<50xi32, #tpu.memory_space<vmem>>) semaphore(%arg10 : memref<!tpu.dma_semaphore, #tpu.memory_space<semaphore_mem>>)
      %add3A_876 = arith.constant 3 : i32
      %add3A_877 = arith.addi %mul3A_506, %add3A_876 : i32
      %add3A_878 = arith.addi %mul3A_2, %add3A_877 : i32
      %dma_wait3A_879 = arith.constant 3 : i32
      %dma_wait3A_880 = arith.constant 0 : i32
      %dma_wait3A_881 = arith.constant 0 : i32
      %dma_wait3A_882 = tpu.memref_slice %arg6[%dma_wait3A_879, %dma_wait3A_880, %dma_wait3A_881] : memref<8x50x128xf32, #tpu.memory_space<vmem>> -> memref<1x50x128xf32, #tpu.memory_space<vmem>>
      %dma_wait3A_883 = tpu.memref_squeeze %dma_wait3A_882 : memref<1x50x128xf32, #tpu.memory_space<vmem>> -> memref<50x128xf32, #tpu.memory_space<vmem>>
      %dma_wait3A_884 = arith.constant 0 : i32
      %dma_wait3A_885 = arith.constant 0 : i32
      %dma_wait3A_886 = tpu.memref_slice %arg4[%add3A_878, %dma_wait3A_884, %dma_wait3A_885] : memref<4096x50x128xf32, #tpu.memory_space<hbm>> -> memref<1x50x128xf32, #tpu.memory_space<hbm>>
      %dma_wait3A_887 = tpu.memref_squeeze %dma_wait3A_886 : memref<1x50x128xf32, #tpu.memory_space<hbm>> -> memref<50x128xf32, #tpu.memory_space<hbm>>
      %dma_wait3A_888 = arith.constant 0 : i32
      %dma_wait3A_889 = arith.constant 0 : i32
      %dma_wait3A_890 = tpu.memref_slice %arg4[%add3A_878, %dma_wait3A_888, %dma_wait3A_889] : memref<4096x50x128xf32, #tpu.memory_space<hbm>> -> memref<1x50x128xf32, #tpu.memory_space<hbm>>
      %dma_wait3A_891 = tpu.memref_squeeze %dma_wait3A_890 : memref<1x50x128xf32, #tpu.memory_space<hbm>> -> memref<50x128xf32, #tpu.memory_space<hbm>>
      %dma_wait3A_892 = arith.constant 0 : i32
      %dma_wait3A_893 = arith.constant 0 : i32
      %dma_wait3A_894 = tpu.memref_slice %arg6[%dma_wait3A_879, %dma_wait3A_892, %dma_wait3A_893] : memref<8x50x128xf32, #tpu.memory_space<vmem>> -> memref<1x50x128xf32, #tpu.memory_space<vmem>>
      %dma_wait3A_895 = tpu.memref_squeeze %dma_wait3A_894 : memref<1x50x128xf32, #tpu.memory_space<vmem>> -> memref<50x128xf32, #tpu.memory_space<vmem>>
      tpu.wait_dma2 semaphore(%arg19 : memref<!tpu.dma_semaphore, #tpu.memory_space<semaphore_mem>>) src(%dma_wait3A_895 : memref<50x128xf32, #tpu.memory_space<vmem>>) dst(%dma_wait3A_891 : memref<50x128xf32, #tpu.memory_space<hbm>>)
      %add3A_896 = arith.constant 8 : i32
      %add3A_897 = arith.addi %mul3A_506, %add3A_896 : i32
      %add3A_898 = arith.constant 3 : i32
      %add3A_899 = arith.addi %add3A_897, %add3A_898 : i32
      %dma_start3A_900 = arith.constant 3 : i32
      %dma_start3A_901 = arith.constant 0 : i32
      %dma_start3A_902 = arith.constant 0 : i32
      %dma_start3A_903 = tpu.memref_slice %arg6[%dma_start3A_900, %dma_start3A_901, %dma_start3A_902] : memref<8x50x128xf32, #tpu.memory_space<vmem>> -> memref<1x50x128xf32, #tpu.memory_space<vmem>>
      %dma_start3A_904 = tpu.memref_squeeze %dma_start3A_903 : memref<1x50x128xf32, #tpu.memory_space<vmem>> -> memref<50x128xf32, #tpu.memory_space<vmem>>
      %dma_start3A_905 = arith.constant 0 : i32
      %dma_start3A_906 = tpu.memref_slice %arg5[%add3A_899, %dma_start3A_905] : memref<128x56xi32, #tpu.memory_space<vmem>> -> memref<1x50xi32, #tpu.memory_space<vmem>>
      %dma_start3A_907 = tpu.memref_squeeze %dma_start3A_906 : memref<1x50xi32, #tpu.memory_space<vmem>> -> memref<50xi32, #tpu.memory_space<vmem>>
      %dma_start3A_908 = arith.constant 0 : i32
      %dma_start3A_909 = arith.constant 0 : i32
      %dma_start3A_910 = tpu.memref_slice %arg7[%dma_start3A_908, %dma_start3A_909] : memref<1000x128xf32, #tpu.memory_space<vmem_shared>> -> memref<1000x128xf32, #tpu.memory_space<vmem_shared>>
      tpu.enqueue_indirect_dma source(%dma_start3A_910 : memref<1000x128xf32, #tpu.memory_space<vmem_shared>>) target(%dma_start3A_904 : memref<50x128xf32, #tpu.memory_space<vmem>>) offsets(%dma_start3A_907 : memref<50xi32, #tpu.memory_space<vmem>>) semaphore(%arg11 : memref<!tpu.dma_semaphore, #tpu.memory_space<semaphore_mem>>)
      %add3A_911 = arith.constant 4 : i32
      %add3A_912 = arith.addi %mul3A_506, %add3A_911 : i32
      %add3A_913 = arith.addi %mul3A_2, %add3A_912 : i32
      %dma_wait3A_914 = arith.constant 4 : i32
      %dma_wait3A_915 = arith.constant 0 : i32
      %dma_wait3A_916 = arith.constant 0 : i32
      %dma_wait3A_917 = tpu.memref_slice %arg6[%dma_wait3A_914, %dma_wait3A_915, %dma_wait3A_916] : memref<8x50x128xf32, #tpu.memory_space<vmem>> -> memref<1x50x128xf32, #tpu.memory_space<vmem>>
      %dma_wait3A_918 = tpu.memref_squeeze %dma_wait3A_917 : memref<1x50x128xf32, #tpu.memory_space<vmem>> -> memref<50x128xf32, #tpu.memory_space<vmem>>
      %dma_wait3A_919 = arith.constant 0 : i32
      %dma_wait3A_920 = arith.constant 0 : i32
      %dma_wait3A_921 = tpu.memref_slice %arg4[%add3A_913, %dma_wait3A_919, %dma_wait3A_920] : memref<4096x50x128xf32, #tpu.memory_space<hbm>> -> memref<1x50x128xf32, #tpu.memory_space<hbm>>
      %dma_wait3A_922 = tpu.memref_squeeze %dma_wait3A_921 : memref<1x50x128xf32, #tpu.memory_space<hbm>> -> memref<50x128xf32, #tpu.memory_space<hbm>>
      %dma_wait3A_923 = arith.constant 0 : i32
      %dma_wait3A_924 = arith.constant 0 : i32
      %dma_wait3A_925 = tpu.memref_slice %arg4[%add3A_913, %dma_wait3A_923, %dma_wait3A_924] : memref<4096x50x128xf32, #tpu.memory_space<hbm>> -> memref<1x50x128xf32, #tpu.memory_space<hbm>>
      %dma_wait3A_926 = tpu.memref_squeeze %dma_wait3A_925 : memref<1x50x128xf32, #tpu.memory_space<hbm>> -> memref<50x128xf32, #tpu.memory_space<hbm>>
      %dma_wait3A_927 = arith.constant 0 : i32
      %dma_wait3A_928 = arith.constant 0 : i32
      %dma_wait3A_929 = tpu.memref_slice %arg6[%dma_wait3A_914, %dma_wait3A_927, %dma_wait3A_928] : memref<8x50x128xf32, #tpu.memory_space<vmem>> -> memref<1x50x128xf32, #tpu.memory_space<vmem>>
      %dma_wait3A_930 = tpu.memref_squeeze %dma_wait3A_929 : memref<1x50x128xf32, #tpu.memory_space<vmem>> -> memref<50x128xf32, #tpu.memory_space<vmem>>
      tpu.wait_dma2 semaphore(%arg20 : memref<!tpu.dma_semaphore, #tpu.memory_space<semaphore_mem>>) src(%dma_wait3A_930 : memref<50x128xf32, #tpu.memory_space<vmem>>) dst(%dma_wait3A_926 : memref<50x128xf32, #tpu.memory_space<hbm>>)
      %add3A_931 = arith.constant 8 : i32
      %add3A_932 = arith.addi %mul3A_506, %add3A_931 : i32
      %add3A_933 = arith.constant 4 : i32
      %add3A_934 = arith.addi %add3A_932, %add3A_933 : i32
      %dma_start3A_935 = arith.constant 4 : i32
      %dma_start3A_936 = arith.constant 0 : i32
      %dma_start3A_937 = arith.constant 0 : i32
      %dma_start3A_938 = tpu.memref_slice %arg6[%dma_start3A_935, %dma_start3A_936, %dma_start3A_937] : memref<8x50x128xf32, #tpu.memory_space<vmem>> -> memref<1x50x128xf32, #tpu.memory_space<vmem>>
      %dma_start3A_939 = tpu.memref_squeeze %dma_start3A_938 : memref<1x50x128xf32, #tpu.memory_space<vmem>> -> memref<50x128xf32, #tpu.memory_space<vmem>>
      %dma_start3A_940 = arith.constant 0 : i32
      %dma_start3A_941 = tpu.memref_slice %arg5[%add3A_934, %dma_start3A_940] : memref<128x56xi32, #tpu.memory_space<vmem>> -> memref<1x50xi32, #tpu.memory_space<vmem>>
      %dma_start3A_942 = tpu.memref_squeeze %dma_start3A_941 : memref<1x50xi32, #tpu.memory_space<vmem>> -> memref<50xi32, #tpu.memory_space<vmem>>
      %dma_start3A_943 = arith.constant 0 : i32
      %dma_start3A_944 = arith.constant 0 : i32
      %dma_start3A_945 = tpu.memref_slice %arg7[%dma_start3A_943, %dma_start3A_944] : memref<1000x128xf32, #tpu.memory_space<vmem_shared>> -> memref<1000x128xf32, #tpu.memory_space<vmem_shared>>
      tpu.enqueue_indirect_dma source(%dma_start3A_945 : memref<1000x128xf32, #tpu.memory_space<vmem_shared>>) target(%dma_start3A_939 : memref<50x128xf32, #tpu.memory_space<vmem>>) offsets(%dma_start3A_942 : memref<50xi32, #tpu.memory_space<vmem>>) semaphore(%arg12 : memref<!tpu.dma_semaphore, #tpu.memory_space<semaphore_mem>>)
      %add3A_946 = arith.constant 5 : i32
      %add3A_947 = arith.addi %mul3A_506, %add3A_946 : i32
      %add3A_948 = arith.addi %mul3A_2, %add3A_947 : i32
      %dma_wait3A_949 = arith.constant 5 : i32
      %dma_wait3A_950 = arith.constant 0 : i32
      %dma_wait3A_951 = arith.constant 0 : i32
      %dma_wait3A_952 = tpu.memref_slice %arg6[%dma_wait3A_949, %dma_wait3A_950, %dma_wait3A_951] : memref<8x50x128xf32, #tpu.memory_space<vmem>> -> memref<1x50x128xf32, #tpu.memory_space<vmem>>
      %dma_wait3A_953 = tpu.memref_squeeze %dma_wait3A_952 : memref<1x50x128xf32, #tpu.memory_space<vmem>> -> memref<50x128xf32, #tpu.memory_space<vmem>>
      %dma_wait3A_954 = arith.constant 0 : i32
      %dma_wait3A_955 = arith.constant 0 : i32
      %dma_wait3A_956 = tpu.memref_slice %arg4[%add3A_948, %dma_wait3A_954, %dma_wait3A_955] : memref<4096x50x128xf32, #tpu.memory_space<hbm>> -> memref<1x50x128xf32, #tpu.memory_space<hbm>>
      %dma_wait3A_957 = tpu.memref_squeeze %dma_wait3A_956 : memref<1x50x128xf32, #tpu.memory_space<hbm>> -> memref<50x128xf32, #tpu.memory_space<hbm>>
      %dma_wait3A_958 = arith.constant 0 : i32
      %dma_wait3A_959 = arith.constant 0 : i32
      %dma_wait3A_960 = tpu.memref_slice %arg4[%add3A_948, %dma_wait3A_958, %dma_wait3A_959] : memref<4096x50x128xf32, #tpu.memory_space<hbm>> -> memref<1x50x128xf32, #tpu.memory_space<hbm>>
      %dma_wait3A_961 = tpu.memref_squeeze %dma_wait3A_960 : memref<1x50x128xf32, #tpu.memory_space<hbm>> -> memref<50x128xf32, #tpu.memory_space<hbm>>
      %dma_wait3A_962 = arith.constant 0 : i32
      %dma_wait3A_963 = arith.constant 0 : i32
      %dma_wait3A_964 = tpu.memref_slice %arg6[%dma_wait3A_949, %dma_wait3A_962, %dma_wait3A_963] : memref<8x50x128xf32, #tpu.memory_space<vmem>> -> memref<1x50x128xf32, #tpu.memory_space<vmem>>
      %dma_wait3A_965 = tpu.memref_squeeze %dma_wait3A_964 : memref<1x50x128xf32, #tpu.memory_space<vmem>> -> memref<50x128xf32, #tpu.memory_space<vmem>>
      tpu.wait_dma2 semaphore(%arg21 : memref<!tpu.dma_semaphore, #tpu.memory_space<semaphore_mem>>) src(%dma_wait3A_965 : memref<50x128xf32, #tpu.memory_space<vmem>>) dst(%dma_wait3A_961 : memref<50x128xf32, #tpu.memory_space<hbm>>)
      %add3A_966 = arith.constant 8 : i32
      %add3A_967 = arith.addi %mul3A_506, %add3A_966 : i32
      %add3A_968 = arith.constant 5 : i32
      %add3A_969 = arith.addi %add3A_967, %add3A_968 : i32
      %dma_start3A_970 = arith.constant 5 : i32
      %dma_start3A_971 = arith.constant 0 : i32
      %dma_start3A_972 = arith.constant 0 : i32
      %dma_start3A_973 = tpu.memref_slice %arg6[%dma_start3A_970, %dma_start3A_971, %dma_start3A_972] : memref<8x50x128xf32, #tpu.memory_space<vmem>> -> memref<1x50x128xf32, #tpu.memory_space<vmem>>
      %dma_start3A_974 = tpu.memref_squeeze %dma_start3A_973 : memref<1x50x128xf32, #tpu.memory_space<vmem>> -> memref<50x128xf32, #tpu.memory_space<vmem>>
      %dma_start3A_975 = arith.constant 0 : i32
      %dma_start3A_976 = tpu.memref_slice %arg5[%add3A_969, %dma_start3A_975] : memref<128x56xi32, #tpu.memory_space<vmem>> -> memref<1x50xi32, #tpu.memory_space<vmem>>
      %dma_start3A_977 = tpu.memref_squeeze %dma_start3A_976 : memref<1x50xi32, #tpu.memory_space<vmem>> -> memref<50xi32, #tpu.memory_space<vmem>>
      %dma_start3A_978 = arith.constant 0 : i32
      %dma_start3A_979 = arith.constant 0 : i32
      %dma_start3A_980 = tpu.memref_slice %arg7[%dma_start3A_978, %dma_start3A_979] : memref<1000x128xf32, #tpu.memory_space<vmem_shared>> -> memref<1000x128xf32, #tpu.memory_space<vmem_shared>>
      tpu.enqueue_indirect_dma source(%dma_start3A_980 : memref<1000x128xf32, #tpu.memory_space<vmem_shared>>) target(%dma_start3A_974 : memref<50x128xf32, #tpu.memory_space<vmem>>) offsets(%dma_start3A_977 : memref<50xi32, #tpu.memory_space<vmem>>) semaphore(%arg13 : memref<!tpu.dma_semaphore, #tpu.memory_space<semaphore_mem>>)
      %add3A_981 = arith.constant 6 : i32
      %add3A_982 = arith.addi %mul3A_506, %add3A_981 : i32
      %add3A_983 = arith.addi %mul3A_2, %add3A_982 : i32
      %dma_wait3A_984 = arith.constant 6 : i32
      %dma_wait3A_985 = arith.constant 0 : i32
      %dma_wait3A_986 = arith.constant 0 : i32
      %dma_wait3A_987 = tpu.memref_slice %arg6[%dma_wait3A_984, %dma_wait3A_985, %dma_wait3A_986] : memref<8x50x128xf32, #tpu.memory_space<vmem>> -> memref<1x50x128xf32, #tpu.memory_space<vmem>>
      %dma_wait3A_988 = tpu.memref_squeeze %dma_wait3A_987 : memref<1x50x128xf32, #tpu.memory_space<vmem>> -> memref<50x128xf32, #tpu.memory_space<vmem>>
      %dma_wait3A_989 = arith.constant 0 : i32
      %dma_wait3A_990 = arith.constant 0 : i32
      %dma_wait3A_991 = tpu.memref_slice %arg4[%add3A_983, %dma_wait3A_989, %dma_wait3A_990] : memref<4096x50x128xf32, #tpu.memory_space<hbm>> -> memref<1x50x128xf32, #tpu.memory_space<hbm>>
      %dma_wait3A_992 = tpu.memref_squeeze %dma_wait3A_991 : memref<1x50x128xf32, #tpu.memory_space<hbm>> -> memref<50x128xf32, #tpu.memory_space<hbm>>
      %dma_wait3A_993 = arith.constant 0 : i32
      %dma_wait3A_994 = arith.constant 0 : i32
      %dma_wait3A_995 = tpu.memref_slice %arg4[%add3A_983, %dma_wait3A_993, %dma_wait3A_994] : memref<4096x50x128xf32, #tpu.memory_space<hbm>> -> memref<1x50x128xf32, #tpu.memory_space<hbm>>
      %dma_wait3A_996 = tpu.memref_squeeze %dma_wait3A_995 : memref<1x50x128xf32, #tpu.memory_space<hbm>> -> memref<50x128xf32, #tpu.memory_space<hbm>>
      %dma_wait3A_997 = arith.constant 0 : i32
      %dma_wait3A_998 = arith.constant 0 : i32
      %dma_wait3A_999 = tpu.memref_slice %arg6[%dma_wait3A_984, %dma_wait3A_997, %dma_wait3A_998] : memref<8x50x128xf32, #tpu.memory_space<vmem>> -> memref<1x50x128xf32, #tpu.memory_space<vmem>>
      %dma_wait3A_1000 = tpu.memref_squeeze %dma_wait3A_999 : memref<1x50x128xf32, #tpu.memory_space<vmem>> -> memref<50x128xf32, #tpu.memory_space<vmem>>
      tpu.wait_dma2 semaphore(%arg22 : memref<!tpu.dma_semaphore, #tpu.memory_space<semaphore_mem>>) src(%dma_wait3A_1000 : memref<50x128xf32, #tpu.memory_space<vmem>>) dst(%dma_wait3A_996 : memref<50x128xf32, #tpu.memory_space<hbm>>)
      %add3A_1001 = arith.constant 8 : i32
      %add3A_1002 = arith.addi %mul3A_506, %add3A_1001 : i32
      %add3A_1003 = arith.constant 6 : i32
      %add3A_1004 = arith.addi %add3A_1002, %add3A_1003 : i32
      %dma_start3A_1005 = arith.constant 6 : i32
      %dma_start3A_1006 = arith.constant 0 : i32
      %dma_start3A_1007 = arith.constant 0 : i32
      %dma_start3A_1008 = tpu.memref_slice %arg6[%dma_start3A_1005, %dma_start3A_1006, %dma_start3A_1007] : memref<8x50x128xf32, #tpu.memory_space<vmem>> -> memref<1x50x128xf32, #tpu.memory_space<vmem>>
      %dma_start3A_1009 = tpu.memref_squeeze %dma_start3A_1008 : memref<1x50x128xf32, #tpu.memory_space<vmem>> -> memref<50x128xf32, #tpu.memory_space<vmem>>
      %dma_start3A_1010 = arith.constant 0 : i32
      %dma_start3A_1011 = tpu.memref_slice %arg5[%add3A_1004, %dma_start3A_1010] : memref<128x56xi32, #tpu.memory_space<vmem>> -> memref<1x50xi32, #tpu.memory_space<vmem>>
      %dma_start3A_1012 = tpu.memref_squeeze %dma_start3A_1011 : memref<1x50xi32, #tpu.memory_space<vmem>> -> memref<50xi32, #tpu.memory_space<vmem>>
      %dma_start3A_1013 = arith.constant 0 : i32
      %dma_start3A_1014 = arith.constant 0 : i32
      %dma_start3A_1015 = tpu.memref_slice %arg7[%dma_start3A_1013, %dma_start3A_1014] : memref<1000x128xf32, #tpu.memory_space<vmem_shared>> -> memref<1000x128xf32, #tpu.memory_space<vmem_shared>>
      tpu.enqueue_indirect_dma source(%dma_start3A_1015 : memref<1000x128xf32, #tpu.memory_space<vmem_shared>>) target(%dma_start3A_1009 : memref<50x128xf32, #tpu.memory_space<vmem>>) offsets(%dma_start3A_1012 : memref<50xi32, #tpu.memory_space<vmem>>) semaphore(%arg14 : memref<!tpu.dma_semaphore, #tpu.memory_space<semaphore_mem>>)
      %add3A_1016 = arith.constant 7 : i32
      %add3A_1017 = arith.addi %mul3A_506, %add3A_1016 : i32
      %add3A_1018 = arith.addi %mul3A_2, %add3A_1017 : i32
      %dma_wait3A_1019 = arith.constant 7 : i32
      %dma_wait3A_1020 = arith.constant 0 : i32
      %dma_wait3A_1021 = arith.constant 0 : i32
      %dma_wait3A_1022 = tpu.memref_slice %arg6[%dma_wait3A_1019, %dma_wait3A_1020, %dma_wait3A_1021] : memref<8x50x128xf32, #tpu.memory_space<vmem>> -> memref<1x50x128xf32, #tpu.memory_space<vmem>>
      %dma_wait3A_1023 = tpu.memref_squeeze %dma_wait3A_1022 : memref<1x50x128xf32, #tpu.memory_space<vmem>> -> memref<50x128xf32, #tpu.memory_space<vmem>>
      %dma_wait3A_1024 = arith.constant 0 : i32
      %dma_wait3A_1025 = arith.constant 0 : i32
      %dma_wait3A_1026 = tpu.memref_slice %arg4[%add3A_1018, %dma_wait3A_1024, %dma_wait3A_1025] : memref<4096x50x128xf32, #tpu.memory_space<hbm>> -> memref<1x50x128xf32, #tpu.memory_space<hbm>>
      %dma_wait3A_1027 = tpu.memref_squeeze %dma_wait3A_1026 : memref<1x50x128xf32, #tpu.memory_space<hbm>> -> memref<50x128xf32, #tpu.memory_space<hbm>>
      %dma_wait3A_1028 = arith.constant 0 : i32
      %dma_wait3A_1029 = arith.constant 0 : i32
      %dma_wait3A_1030 = tpu.memref_slice %arg4[%add3A_1018, %dma_wait3A_1028, %dma_wait3A_1029] : memref<4096x50x128xf32, #tpu.memory_space<hbm>> -> memref<1x50x128xf32, #tpu.memory_space<hbm>>
      %dma_wait3A_1031 = tpu.memref_squeeze %dma_wait3A_1030 : memref<1x50x128xf32, #tpu.memory_space<hbm>> -> memref<50x128xf32, #tpu.memory_space<hbm>>
      %dma_wait3A_1032 = arith.constant 0 : i32
      %dma_wait3A_1033 = arith.constant 0 : i32
      %dma_wait3A_1034 = tpu.memref_slice %arg6[%dma_wait3A_1019, %dma_wait3A_1032, %dma_wait3A_1033] : memref<8x50x128xf32, #tpu.memory_space<vmem>> -> memref<1x50x128xf32, #tpu.memory_space<vmem>>
      %dma_wait3A_1035 = tpu.memref_squeeze %dma_wait3A_1034 : memref<1x50x128xf32, #tpu.memory_space<vmem>> -> memref<50x128xf32, #tpu.memory_space<vmem>>
      tpu.wait_dma2 semaphore(%arg23 : memref<!tpu.dma_semaphore, #tpu.memory_space<semaphore_mem>>) src(%dma_wait3A_1035 : memref<50x128xf32, #tpu.memory_space<vmem>>) dst(%dma_wait3A_1031 : memref<50x128xf32, #tpu.memory_space<hbm>>)
      %add3A_1036 = arith.constant 8 : i32
      %add3A_1037 = arith.addi %mul3A_506, %add3A_1036 : i32
      %add3A_1038 = arith.constant 7 : i32
      %add3A_1039 = arith.addi %add3A_1037, %add3A_1038 : i32
      %dma_start3A_1040 = arith.constant 7 : i32
      %dma_start3A_1041 = arith.constant 0 : i32
      %dma_start3A_1042 = arith.constant 0 : i32
      %dma_start3A_1043 = tpu.memref_slice %arg6[%dma_start3A_1040, %dma_start3A_1041, %dma_start3A_1042] : memref<8x50x128xf32, #tpu.memory_space<vmem>> -> memref<1x50x128xf32, #tpu.memory_space<vmem>>
      %dma_start3A_1044 = tpu.memref_squeeze %dma_start3A_1043 : memref<1x50x128xf32, #tpu.memory_space<vmem>> -> memref<50x128xf32, #tpu.memory_space<vmem>>
      %dma_start3A_1045 = arith.constant 0 : i32
      %dma_start3A_1046 = tpu.memref_slice %arg5[%add3A_1039, %dma_start3A_1045] : memref<128x56xi32, #tpu.memory_space<vmem>> -> memref<1x50xi32, #tpu.memory_space<vmem>>
      %dma_start3A_1047 = tpu.memref_squeeze %dma_start3A_1046 : memref<1x50xi32, #tpu.memory_space<vmem>> -> memref<50xi32, #tpu.memory_space<vmem>>
      %dma_start3A_1048 = arith.constant 0 : i32
      %dma_start3A_1049 = arith.constant 0 : i32
      %dma_start3A_1050 = tpu.memref_slice %arg7[%dma_start3A_1048, %dma_start3A_1049] : memref<1000x128xf32, #tpu.memory_space<vmem_shared>> -> memref<1000x128xf32, #tpu.memory_space<vmem_shared>>
      tpu.enqueue_indirect_dma source(%dma_start3A_1050 : memref<1000x128xf32, #tpu.memory_space<vmem_shared>>) target(%dma_start3A_1044 : memref<50x128xf32, #tpu.memory_space<vmem>>) offsets(%dma_start3A_1047 : memref<50xi32, #tpu.memory_space<vmem>>) semaphore(%arg15 : memref<!tpu.dma_semaphore, #tpu.memory_space<semaphore_mem>>)
    }
    %scan3A_104 = arith.constant 15 : i32
    %dma_wait3A = arith.constant 120 : i32
    %dma_wait3A_105 = arith.constant 0 : i32
    %dma_wait3A_106 = arith.constant 0 : i32
    %dma_wait3A_107 = arith.constant 0 : i32
    %dma_wait3A_108 = tpu.memref_slice %arg6[%dma_wait3A_105, %dma_wait3A_106, %dma_wait3A_107] : memref<8x50x128xf32, #tpu.memory_space<vmem>> -> memref<1x50x128xf32, #tpu.memory_space<vmem>>
    %dma_wait3A_109 = tpu.memref_squeeze %dma_wait3A_108 : memref<1x50x128xf32, #tpu.memory_space<vmem>> -> memref<50x128xf32, #tpu.memory_space<vmem>>
    %dma_wait3A_110 = arith.constant 0 : i32
    %dma_wait3A_111 = tpu.memref_slice %arg5[%dma_wait3A, %dma_wait3A_110] : memref<128x56xi32, #tpu.memory_space<vmem>> -> memref<1x50xi32, #tpu.memory_space<vmem>>
    %dma_wait3A_112 = tpu.memref_squeeze %dma_wait3A_111 : memref<1x50xi32, #tpu.memory_space<vmem>> -> memref<50xi32, #tpu.memory_space<vmem>>
    %dma_wait3A_113 = arith.constant 0 : i32
    %dma_wait3A_114 = arith.constant 0 : i32
    %dma_wait3A_115 = tpu.memref_slice %arg7[%dma_wait3A_113, %dma_wait3A_114] : memref<1000x128xf32, #tpu.memory_space<vmem_shared>> -> memref<1000x128xf32, #tpu.memory_space<vmem_shared>>
    tpu.wait_indirect_dma semaphore(%arg8 : memref<!tpu.dma_semaphore, #tpu.memory_space<semaphore_mem>>) src(%dma_wait3A_115 : memref<1000x128xf32, #tpu.memory_space<vmem_shared>>) dst(%dma_wait3A_109 : memref<50x128xf32, #tpu.memory_space<vmem>>)
    %add3A_116 = arith.constant 120 : i32
    %add3A_117 = arith.addi %mul3A_2, %add3A_116 : i32
    %dma_start3A_118 = arith.constant 0 : i32
    %dma_start3A_119 = arith.constant 0 : i32
    %dma_start3A_120 = arith.constant 0 : i32
    %dma_start3A_121 = tpu.memref_slice %arg6[%dma_start3A_118, %dma_start3A_119, %dma_start3A_120] : memref<8x50x128xf32, #tpu.memory_space<vmem>> -> memref<1x50x128xf32, #tpu.memory_space<vmem>>
    %dma_start3A_122 = tpu.memref_squeeze %dma_start3A_121 : memref<1x50x128xf32, #tpu.memory_space<vmem>> -> memref<50x128xf32, #tpu.memory_space<vmem>>
    %dma_start3A_123 = arith.constant 0 : i32
    %dma_start3A_124 = arith.constant 0 : i32
    %dma_start3A_125 = tpu.memref_slice %arg4[%add3A_117, %dma_start3A_123, %dma_start3A_124] : memref<4096x50x128xf32, #tpu.memory_space<hbm>> -> memref<1x50x128xf32, #tpu.memory_space<hbm>>
    %dma_start3A_126 = tpu.memref_squeeze %dma_start3A_125 : memref<1x50x128xf32, #tpu.memory_space<hbm>> -> memref<50x128xf32, #tpu.memory_space<hbm>>
    %dma_start3A_127 = arith.constant 0 : i32
    %dma_start3A_128 = arith.constant 0 : i32
    %dma_start3A_129 = tpu.memref_slice %arg4[%add3A_117, %dma_start3A_127, %dma_start3A_128] : memref<4096x50x128xf32, #tpu.memory_space<hbm>> -> memref<1x50x128xf32, #tpu.memory_space<hbm>>
    %dma_start3A_130 = tpu.memref_squeeze %dma_start3A_129 : memref<1x50x128xf32, #tpu.memory_space<hbm>> -> memref<50x128xf32, #tpu.memory_space<hbm>>
    %dma_start3A_131 = arith.constant 0 : i32
    %dma_start3A_132 = arith.constant 0 : i32
    %dma_start3A_133 = tpu.memref_slice %arg6[%dma_start3A_118, %dma_start3A_131, %dma_start3A_132] : memref<8x50x128xf32, #tpu.memory_space<vmem>> -> memref<1x50x128xf32, #tpu.memory_space<vmem>>
    %dma_start3A_134 = tpu.memref_squeeze %dma_start3A_133 : memref<1x50x128xf32, #tpu.memory_space<vmem>> -> memref<50x128xf32, #tpu.memory_space<vmem>>
    tpu.enqueue_dma source(%dma_start3A_134 : memref<50x128xf32, #tpu.memory_space<vmem>>) target(%dma_start3A_130 : memref<50x128xf32, #tpu.memory_space<hbm>>) target_semaphore(%arg16 : memref<!tpu.dma_semaphore, #tpu.memory_space<semaphore_mem>>)
    %dma_wait3A_135 = arith.constant 121 : i32
    %dma_wait3A_136 = arith.constant 1 : i32
    %dma_wait3A_137 = arith.constant 0 : i32
    %dma_wait3A_138 = arith.constant 0 : i32
    %dma_wait3A_139 = tpu.memref_slice %arg6[%dma_wait3A_136, %dma_wait3A_137, %dma_wait3A_138] : memref<8x50x128xf32, #tpu.memory_space<vmem>> -> memref<1x50x128xf32, #tpu.memory_space<vmem>>
    %dma_wait3A_140 = tpu.memref_squeeze %dma_wait3A_139 : memref<1x50x128xf32, #tpu.memory_space<vmem>> -> memref<50x128xf32, #tpu.memory_space<vmem>>
    %dma_wait3A_141 = arith.constant 0 : i32
    %dma_wait3A_142 = tpu.memref_slice %arg5[%dma_wait3A_135, %dma_wait3A_141] : memref<128x56xi32, #tpu.memory_space<vmem>> -> memref<1x50xi32, #tpu.memory_space<vmem>>
    %dma_wait3A_143 = tpu.memref_squeeze %dma_wait3A_142 : memref<1x50xi32, #tpu.memory_space<vmem>> -> memref<50xi32, #tpu.memory_space<vmem>>
    %dma_wait3A_144 = arith.constant 0 : i32
    %dma_wait3A_145 = arith.constant 0 : i32
    %dma_wait3A_146 = tpu.memref_slice %arg7[%dma_wait3A_144, %dma_wait3A_145] : memref<1000x128xf32, #tpu.memory_space<vmem_shared>> -> memref<1000x128xf32, #tpu.memory_space<vmem_shared>>
    tpu.wait_indirect_dma semaphore(%arg9 : memref<!tpu.dma_semaphore, #tpu.memory_space<semaphore_mem>>) src(%dma_wait3A_146 : memref<1000x128xf32, #tpu.memory_space<vmem_shared>>) dst(%dma_wait3A_140 : memref<50x128xf32, #tpu.memory_space<vmem>>)
    %add3A_147 = arith.constant 121 : i32
    %add3A_148 = arith.addi %mul3A_2, %add3A_147 : i32
    %dma_start3A_149 = arith.constant 1 : i32
    %dma_start3A_150 = arith.constant 0 : i32
    %dma_start3A_151 = arith.constant 0 : i32
    %dma_start3A_152 = tpu.memref_slice %arg6[%dma_start3A_149, %dma_start3A_150, %dma_start3A_151] : memref<8x50x128xf32, #tpu.memory_space<vmem>> -> memref<1x50x128xf32, #tpu.memory_space<vmem>>
    %dma_start3A_153 = tpu.memref_squeeze %dma_start3A_152 : memref<1x50x128xf32, #tpu.memory_space<vmem>> -> memref<50x128xf32, #tpu.memory_space<vmem>>
    %dma_start3A_154 = arith.constant 0 : i32
    %dma_start3A_155 = arith.constant 0 : i32
    %dma_start3A_156 = tpu.memref_slice %arg4[%add3A_148, %dma_start3A_154, %dma_start3A_155] : memref<4096x50x128xf32, #tpu.memory_space<hbm>> -> memref<1x50x128xf32, #tpu.memory_space<hbm>>
    %dma_start3A_157 = tpu.memref_squeeze %dma_start3A_156 : memref<1x50x128xf32, #tpu.memory_space<hbm>> -> memref<50x128xf32, #tpu.memory_space<hbm>>
    %dma_start3A_158 = arith.constant 0 : i32
    %dma_start3A_159 = arith.constant 0 : i32
    %dma_start3A_160 = tpu.memref_slice %arg4[%add3A_148, %dma_start3A_158, %dma_start3A_159] : memref<4096x50x128xf32, #tpu.memory_space<hbm>> -> memref<1x50x128xf32, #tpu.memory_space<hbm>>
    %dma_start3A_161 = tpu.memref_squeeze %dma_start3A_160 : memref<1x50x128xf32, #tpu.memory_space<hbm>> -> memref<50x128xf32, #tpu.memory_space<hbm>>
    %dma_start3A_162 = arith.constant 0 : i32
    %dma_start3A_163 = arith.constant 0 : i32
    %dma_start3A_164 = tpu.memref_slice %arg6[%dma_start3A_149, %dma_start3A_162, %dma_start3A_163] : memref<8x50x128xf32, #tpu.memory_space<vmem>> -> memref<1x50x128xf32, #tpu.memory_space<vmem>>
    %dma_start3A_165 = tpu.memref_squeeze %dma_start3A_164 : memref<1x50x128xf32, #tpu.memory_space<vmem>> -> memref<50x128xf32, #tpu.memory_space<vmem>>
    tpu.enqueue_dma source(%dma_start3A_165 : memref<50x128xf32, #tpu.memory_space<vmem>>) target(%dma_start3A_161 : memref<50x128xf32, #tpu.memory_space<hbm>>) target_semaphore(%arg17 : memref<!tpu.dma_semaphore, #tpu.memory_space<semaphore_mem>>)
    %dma_wait3A_166 = arith.constant 122 : i32
    %dma_wait3A_167 = arith.constant 2 : i32
    %dma_wait3A_168 = arith.constant 0 : i32
    %dma_wait3A_169 = arith.constant 0 : i32
    %dma_wait3A_170 = tpu.memref_slice %arg6[%dma_wait3A_167, %dma_wait3A_168, %dma_wait3A_169] : memref<8x50x128xf32, #tpu.memory_space<vmem>> -> memref<1x50x128xf32, #tpu.memory_space<vmem>>
    %dma_wait3A_171 = tpu.memref_squeeze %dma_wait3A_170 : memref<1x50x128xf32, #tpu.memory_space<vmem>> -> memref<50x128xf32, #tpu.memory_space<vmem>>
    %dma_wait3A_172 = arith.constant 0 : i32
    %dma_wait3A_173 = tpu.memref_slice %arg5[%dma_wait3A_166, %dma_wait3A_172] : memref<128x56xi32, #tpu.memory_space<vmem>> -> memref<1x50xi32, #tpu.memory_space<vmem>>
    %dma_wait3A_174 = tpu.memref_squeeze %dma_wait3A_173 : memref<1x50xi32, #tpu.memory_space<vmem>> -> memref<50xi32, #tpu.memory_space<vmem>>
    %dma_wait3A_175 = arith.constant 0 : i32
    %dma_wait3A_176 = arith.constant 0 : i32
    %dma_wait3A_177 = tpu.memref_slice %arg7[%dma_wait3A_175, %dma_wait3A_176] : memref<1000x128xf32, #tpu.memory_space<vmem_shared>> -> memref<1000x128xf32, #tpu.memory_space<vmem_shared>>
    tpu.wait_indirect_dma semaphore(%arg10 : memref<!tpu.dma_semaphore, #tpu.memory_space<semaphore_mem>>) src(%dma_wait3A_177 : memref<1000x128xf32, #tpu.memory_space<vmem_shared>>) dst(%dma_wait3A_171 : memref<50x128xf32, #tpu.memory_space<vmem>>)
    %add3A_178 = arith.constant 122 : i32
    %add3A_179 = arith.addi %mul3A_2, %add3A_178 : i32
    %dma_start3A_180 = arith.constant 2 : i32
    %dma_start3A_181 = arith.constant 0 : i32
    %dma_start3A_182 = arith.constant 0 : i32
    %dma_start3A_183 = tpu.memref_slice %arg6[%dma_start3A_180, %dma_start3A_181, %dma_start3A_182] : memref<8x50x128xf32, #tpu.memory_space<vmem>> -> memref<1x50x128xf32, #tpu.memory_space<vmem>>
    %dma_start3A_184 = tpu.memref_squeeze %dma_start3A_183 : memref<1x50x128xf32, #tpu.memory_space<vmem>> -> memref<50x128xf32, #tpu.memory_space<vmem>>
    %dma_start3A_185 = arith.constant 0 : i32
    %dma_start3A_186 = arith.constant 0 : i32
    %dma_start3A_187 = tpu.memref_slice %arg4[%add3A_179, %dma_start3A_185, %dma_start3A_186] : memref<4096x50x128xf32, #tpu.memory_space<hbm>> -> memref<1x50x128xf32, #tpu.memory_space<hbm>>
    %dma_start3A_188 = tpu.memref_squeeze %dma_start3A_187 : memref<1x50x128xf32, #tpu.memory_space<hbm>> -> memref<50x128xf32, #tpu.memory_space<hbm>>
    %dma_start3A_189 = arith.constant 0 : i32
    %dma_start3A_190 = arith.constant 0 : i32
    %dma_start3A_191 = tpu.memref_slice %arg4[%add3A_179, %dma_start3A_189, %dma_start3A_190] : memref<4096x50x128xf32, #tpu.memory_space<hbm>> -> memref<1x50x128xf32, #tpu.memory_space<hbm>>
    %dma_start3A_192 = tpu.memref_squeeze %dma_start3A_191 : memref<1x50x128xf32, #tpu.memory_space<hbm>> -> memref<50x128xf32, #tpu.memory_space<hbm>>
    %dma_start3A_193 = arith.constant 0 : i32
    %dma_start3A_194 = arith.constant 0 : i32
    %dma_start3A_195 = tpu.memref_slice %arg6[%dma_start3A_180, %dma_start3A_193, %dma_start3A_194] : memref<8x50x128xf32, #tpu.memory_space<vmem>> -> memref<1x50x128xf32, #tpu.memory_space<vmem>>
    %dma_start3A_196 = tpu.memref_squeeze %dma_start3A_195 : memref<1x50x128xf32, #tpu.memory_space<vmem>> -> memref<50x128xf32, #tpu.memory_space<vmem>>
    tpu.enqueue_dma source(%dma_start3A_196 : memref<50x128xf32, #tpu.memory_space<vmem>>) target(%dma_start3A_192 : memref<50x128xf32, #tpu.memory_space<hbm>>) target_semaphore(%arg18 : memref<!tpu.dma_semaphore, #tpu.memory_space<semaphore_mem>>)
    %dma_wait3A_197 = arith.constant 123 : i32
    %dma_wait3A_198 = arith.constant 3 : i32
    %dma_wait3A_199 = arith.constant 0 : i32
    %dma_wait3A_200 = arith.constant 0 : i32
    %dma_wait3A_201 = tpu.memref_slice %arg6[%dma_wait3A_198, %dma_wait3A_199, %dma_wait3A_200] : memref<8x50x128xf32, #tpu.memory_space<vmem>> -> memref<1x50x128xf32, #tpu.memory_space<vmem>>
    %dma_wait3A_202 = tpu.memref_squeeze %dma_wait3A_201 : memref<1x50x128xf32, #tpu.memory_space<vmem>> -> memref<50x128xf32, #tpu.memory_space<vmem>>
    %dma_wait3A_203 = arith.constant 0 : i32
    %dma_wait3A_204 = tpu.memref_slice %arg5[%dma_wait3A_197, %dma_wait3A_203] : memref<128x56xi32, #tpu.memory_space<vmem>> -> memref<1x50xi32, #tpu.memory_space<vmem>>
    %dma_wait3A_205 = tpu.memref_squeeze %dma_wait3A_204 : memref<1x50xi32, #tpu.memory_space<vmem>> -> memref<50xi32, #tpu.memory_space<vmem>>
    %dma_wait3A_206 = arith.constant 0 : i32
    %dma_wait3A_207 = arith.constant 0 : i32
    %dma_wait3A_208 = tpu.memref_slice %arg7[%dma_wait3A_206, %dma_wait3A_207] : memref<1000x128xf32, #tpu.memory_space<vmem_shared>> -> memref<1000x128xf32, #tpu.memory_space<vmem_shared>>
    tpu.wait_indirect_dma semaphore(%arg11 : memref<!tpu.dma_semaphore, #tpu.memory_space<semaphore_mem>>) src(%dma_wait3A_208 : memref<1000x128xf32, #tpu.memory_space<vmem_shared>>) dst(%dma_wait3A_202 : memref<50x128xf32, #tpu.memory_space<vmem>>)
    %add3A_209 = arith.constant 123 : i32
    %add3A_210 = arith.addi %mul3A_2, %add3A_209 : i32
    %dma_start3A_211 = arith.constant 3 : i32
    %dma_start3A_212 = arith.constant 0 : i32
    %dma_start3A_213 = arith.constant 0 : i32
    %dma_start3A_214 = tpu.memref_slice %arg6[%dma_start3A_211, %dma_start3A_212, %dma_start3A_213] : memref<8x50x128xf32, #tpu.memory_space<vmem>> -> memref<1x50x128xf32, #tpu.memory_space<vmem>>
    %dma_start3A_215 = tpu.memref_squeeze %dma_start3A_214 : memref<1x50x128xf32, #tpu.memory_space<vmem>> -> memref<50x128xf32, #tpu.memory_space<vmem>>
    %dma_start3A_216 = arith.constant 0 : i32
    %dma_start3A_217 = arith.constant 0 : i32
    %dma_start3A_218 = tpu.memref_slice %arg4[%add3A_210, %dma_start3A_216, %dma_start3A_217] : memref<4096x50x128xf32, #tpu.memory_space<hbm>> -> memref<1x50x128xf32, #tpu.memory_space<hbm>>
    %dma_start3A_219 = tpu.memref_squeeze %dma_start3A_218 : memref<1x50x128xf32, #tpu.memory_space<hbm>> -> memref<50x128xf32, #tpu.memory_space<hbm>>
    %dma_start3A_220 = arith.constant 0 : i32
    %dma_start3A_221 = arith.constant 0 : i32
    %dma_start3A_222 = tpu.memref_slice %arg4[%add3A_210, %dma_start3A_220, %dma_start3A_221] : memref<4096x50x128xf32, #tpu.memory_space<hbm>> -> memref<1x50x128xf32, #tpu.memory_space<hbm>>
    %dma_start3A_223 = tpu.memref_squeeze %dma_start3A_222 : memref<1x50x128xf32, #tpu.memory_space<hbm>> -> memref<50x128xf32, #tpu.memory_space<hbm>>
    %dma_start3A_224 = arith.constant 0 : i32
    %dma_start3A_225 = arith.constant 0 : i32
    %dma_start3A_226 = tpu.memref_slice %arg6[%dma_start3A_211, %dma_start3A_224, %dma_start3A_225] : memref<8x50x128xf32, #tpu.memory_space<vmem>> -> memref<1x50x128xf32, #tpu.memory_space<vmem>>
    %dma_start3A_227 = tpu.memref_squeeze %dma_start3A_226 : memref<1x50x128xf32, #tpu.memory_space<vmem>> -> memref<50x128xf32, #tpu.memory_space<vmem>>
    tpu.enqueue_dma source(%dma_start3A_227 : memref<50x128xf32, #tpu.memory_space<vmem>>) target(%dma_start3A_223 : memref<50x128xf32, #tpu.memory_space<hbm>>) target_semaphore(%arg19 : memref<!tpu.dma_semaphore, #tpu.memory_space<semaphore_mem>>)
    %dma_wait3A_228 = arith.constant 124 : i32
    %dma_wait3A_229 = arith.constant 4 : i32
    %dma_wait3A_230 = arith.constant 0 : i32
    %dma_wait3A_231 = arith.constant 0 : i32
    %dma_wait3A_232 = tpu.memref_slice %arg6[%dma_wait3A_229, %dma_wait3A_230, %dma_wait3A_231] : memref<8x50x128xf32, #tpu.memory_space<vmem>> -> memref<1x50x128xf32, #tpu.memory_space<vmem>>
    %dma_wait3A_233 = tpu.memref_squeeze %dma_wait3A_232 : memref<1x50x128xf32, #tpu.memory_space<vmem>> -> memref<50x128xf32, #tpu.memory_space<vmem>>
    %dma_wait3A_234 = arith.constant 0 : i32
    %dma_wait3A_235 = tpu.memref_slice %arg5[%dma_wait3A_228, %dma_wait3A_234] : memref<128x56xi32, #tpu.memory_space<vmem>> -> memref<1x50xi32, #tpu.memory_space<vmem>>
    %dma_wait3A_236 = tpu.memref_squeeze %dma_wait3A_235 : memref<1x50xi32, #tpu.memory_space<vmem>> -> memref<50xi32, #tpu.memory_space<vmem>>
    %dma_wait3A_237 = arith.constant 0 : i32
    %dma_wait3A_238 = arith.constant 0 : i32
    %dma_wait3A_239 = tpu.memref_slice %arg7[%dma_wait3A_237, %dma_wait3A_238] : memref<1000x128xf32, #tpu.memory_space<vmem_shared>> -> memref<1000x128xf32, #tpu.memory_space<vmem_shared>>
    tpu.wait_indirect_dma semaphore(%arg12 : memref<!tpu.dma_semaphore, #tpu.memory_space<semaphore_mem>>) src(%dma_wait3A_239 : memref<1000x128xf32, #tpu.memory_space<vmem_shared>>) dst(%dma_wait3A_233 : memref<50x128xf32, #tpu.memory_space<vmem>>)
    %add3A_240 = arith.constant 124 : i32
    %add3A_241 = arith.addi %mul3A_2, %add3A_240 : i32
    %dma_start3A_242 = arith.constant 4 : i32
    %dma_start3A_243 = arith.constant 0 : i32
    %dma_start3A_244 = arith.constant 0 : i32
    %dma_start3A_245 = tpu.memref_slice %arg6[%dma_start3A_242, %dma_start3A_243, %dma_start3A_244] : memref<8x50x128xf32, #tpu.memory_space<vmem>> -> memref<1x50x128xf32, #tpu.memory_space<vmem>>
    %dma_start3A_246 = tpu.memref_squeeze %dma_start3A_245 : memref<1x50x128xf32, #tpu.memory_space<vmem>> -> memref<50x128xf32, #tpu.memory_space<vmem>>
    %dma_start3A_247 = arith.constant 0 : i32
    %dma_start3A_248 = arith.constant 0 : i32
    %dma_start3A_249 = tpu.memref_slice %arg4[%add3A_241, %dma_start3A_247, %dma_start3A_248] : memref<4096x50x128xf32, #tpu.memory_space<hbm>> -> memref<1x50x128xf32, #tpu.memory_space<hbm>>
    %dma_start3A_250 = tpu.memref_squeeze %dma_start3A_249 : memref<1x50x128xf32, #tpu.memory_space<hbm>> -> memref<50x128xf32, #tpu.memory_space<hbm>>
    %dma_start3A_251 = arith.constant 0 : i32
    %dma_start3A_252 = arith.constant 0 : i32
    %dma_start3A_253 = tpu.memref_slice %arg4[%add3A_241, %dma_start3A_251, %dma_start3A_252] : memref<4096x50x128xf32, #tpu.memory_space<hbm>> -> memref<1x50x128xf32, #tpu.memory_space<hbm>>
    %dma_start3A_254 = tpu.memref_squeeze %dma_start3A_253 : memref<1x50x128xf32, #tpu.memory_space<hbm>> -> memref<50x128xf32, #tpu.memory_space<hbm>>
    %dma_start3A_255 = arith.constant 0 : i32
    %dma_start3A_256 = arith.constant 0 : i32
    %dma_start3A_257 = tpu.memref_slice %arg6[%dma_start3A_242, %dma_start3A_255, %dma_start3A_256] : memref<8x50x128xf32, #tpu.memory_space<vmem>> -> memref<1x50x128xf32, #tpu.memory_space<vmem>>
    %dma_start3A_258 = tpu.memref_squeeze %dma_start3A_257 : memref<1x50x128xf32, #tpu.memory_space<vmem>> -> memref<50x128xf32, #tpu.memory_space<vmem>>
    tpu.enqueue_dma source(%dma_start3A_258 : memref<50x128xf32, #tpu.memory_space<vmem>>) target(%dma_start3A_254 : memref<50x128xf32, #tpu.memory_space<hbm>>) target_semaphore(%arg20 : memref<!tpu.dma_semaphore, #tpu.memory_space<semaphore_mem>>)
    %dma_wait3A_259 = arith.constant 125 : i32
    %dma_wait3A_260 = arith.constant 5 : i32
    %dma_wait3A_261 = arith.constant 0 : i32
    %dma_wait3A_262 = arith.constant 0 : i32
    %dma_wait3A_263 = tpu.memref_slice %arg6[%dma_wait3A_260, %dma_wait3A_261, %dma_wait3A_262] : memref<8x50x128xf32, #tpu.memory_space<vmem>> -> memref<1x50x128xf32, #tpu.memory_space<vmem>>
    %dma_wait3A_264 = tpu.memref_squeeze %dma_wait3A_263 : memref<1x50x128xf32, #tpu.memory_space<vmem>> -> memref<50x128xf32, #tpu.memory_space<vmem>>
    %dma_wait3A_265 = arith.constant 0 : i32
    %dma_wait3A_266 = tpu.memref_slice %arg5[%dma_wait3A_259, %dma_wait3A_265] : memref<128x56xi32, #tpu.memory_space<vmem>> -> memref<1x50xi32, #tpu.memory_space<vmem>>
    %dma_wait3A_267 = tpu.memref_squeeze %dma_wait3A_266 : memref<1x50xi32, #tpu.memory_space<vmem>> -> memref<50xi32, #tpu.memory_space<vmem>>
    %dma_wait3A_268 = arith.constant 0 : i32
    %dma_wait3A_269 = arith.constant 0 : i32
    %dma_wait3A_270 = tpu.memref_slice %arg7[%dma_wait3A_268, %dma_wait3A_269] : memref<1000x128xf32, #tpu.memory_space<vmem_shared>> -> memref<1000x128xf32, #tpu.memory_space<vmem_shared>>
    tpu.wait_indirect_dma semaphore(%arg13 : memref<!tpu.dma_semaphore, #tpu.memory_space<semaphore_mem>>) src(%dma_wait3A_270 : memref<1000x128xf32, #tpu.memory_space<vmem_shared>>) dst(%dma_wait3A_264 : memref<50x128xf32, #tpu.memory_space<vmem>>)
    %add3A_271 = arith.constant 125 : i32
    %add3A_272 = arith.addi %mul3A_2, %add3A_271 : i32
    %dma_start3A_273 = arith.constant 5 : i32
    %dma_start3A_274 = arith.constant 0 : i32
    %dma_start3A_275 = arith.constant 0 : i32
    %dma_start3A_276 = tpu.memref_slice %arg6[%dma_start3A_273, %dma_start3A_274, %dma_start3A_275] : memref<8x50x128xf32, #tpu.memory_space<vmem>> -> memref<1x50x128xf32, #tpu.memory_space<vmem>>
    %dma_start3A_277 = tpu.memref_squeeze %dma_start3A_276 : memref<1x50x128xf32, #tpu.memory_space<vmem>> -> memref<50x128xf32, #tpu.memory_space<vmem>>
    %dma_start3A_278 = arith.constant 0 : i32
    %dma_start3A_279 = arith.constant 0 : i32
    %dma_start3A_280 = tpu.memref_slice %arg4[%add3A_272, %dma_start3A_278, %dma_start3A_279] : memref<4096x50x128xf32, #tpu.memory_space<hbm>> -> memref<1x50x128xf32, #tpu.memory_space<hbm>>
    %dma_start3A_281 = tpu.memref_squeeze %dma_start3A_280 : memref<1x50x128xf32, #tpu.memory_space<hbm>> -> memref<50x128xf32, #tpu.memory_space<hbm>>
    %dma_start3A_282 = arith.constant 0 : i32
    %dma_start3A_283 = arith.constant 0 : i32
    %dma_start3A_284 = tpu.memref_slice %arg4[%add3A_272, %dma_start3A_282, %dma_start3A_283] : memref<4096x50x128xf32, #tpu.memory_space<hbm>> -> memref<1x50x128xf32, #tpu.memory_space<hbm>>
    %dma_start3A_285 = tpu.memref_squeeze %dma_start3A_284 : memref<1x50x128xf32, #tpu.memory_space<hbm>> -> memref<50x128xf32, #tpu.memory_space<hbm>>
    %dma_start3A_286 = arith.constant 0 : i32
    %dma_start3A_287 = arith.constant 0 : i32
    %dma_start3A_288 = tpu.memref_slice %arg6[%dma_start3A_273, %dma_start3A_286, %dma_start3A_287] : memref<8x50x128xf32, #tpu.memory_space<vmem>> -> memref<1x50x128xf32, #tpu.memory_space<vmem>>
    %dma_start3A_289 = tpu.memref_squeeze %dma_start3A_288 : memref<1x50x128xf32, #tpu.memory_space<vmem>> -> memref<50x128xf32, #tpu.memory_space<vmem>>
    tpu.enqueue_dma source(%dma_start3A_289 : memref<50x128xf32, #tpu.memory_space<vmem>>) target(%dma_start3A_285 : memref<50x128xf32, #tpu.memory_space<hbm>>) target_semaphore(%arg21 : memref<!tpu.dma_semaphore, #tpu.memory_space<semaphore_mem>>)
    %dma_wait3A_290 = arith.constant 126 : i32
    %dma_wait3A_291 = arith.constant 6 : i32
    %dma_wait3A_292 = arith.constant 0 : i32
    %dma_wait3A_293 = arith.constant 0 : i32
    %dma_wait3A_294 = tpu.memref_slice %arg6[%dma_wait3A_291, %dma_wait3A_292, %dma_wait3A_293] : memref<8x50x128xf32, #tpu.memory_space<vmem>> -> memref<1x50x128xf32, #tpu.memory_space<vmem>>
    %dma_wait3A_295 = tpu.memref_squeeze %dma_wait3A_294 : memref<1x50x128xf32, #tpu.memory_space<vmem>> -> memref<50x128xf32, #tpu.memory_space<vmem>>
    %dma_wait3A_296 = arith.constant 0 : i32
    %dma_wait3A_297 = tpu.memref_slice %arg5[%dma_wait3A_290, %dma_wait3A_296] : memref<128x56xi32, #tpu.memory_space<vmem>> -> memref<1x50xi32, #tpu.memory_space<vmem>>
    %dma_wait3A_298 = tpu.memref_squeeze %dma_wait3A_297 : memref<1x50xi32, #tpu.memory_space<vmem>> -> memref<50xi32, #tpu.memory_space<vmem>>
    %dma_wait3A_299 = arith.constant 0 : i32
    %dma_wait3A_300 = arith.constant 0 : i32
    %dma_wait3A_301 = tpu.memref_slice %arg7[%dma_wait3A_299, %dma_wait3A_300] : memref<1000x128xf32, #tpu.memory_space<vmem_shared>> -> memref<1000x128xf32, #tpu.memory_space<vmem_shared>>
    tpu.wait_indirect_dma semaphore(%arg14 : memref<!tpu.dma_semaphore, #tpu.memory_space<semaphore_mem>>) src(%dma_wait3A_301 : memref<1000x128xf32, #tpu.memory_space<vmem_shared>>) dst(%dma_wait3A_295 : memref<50x128xf32, #tpu.memory_space<vmem>>)
    %add3A_302 = arith.constant 126 : i32
    %add3A_303 = arith.addi %mul3A_2, %add3A_302 : i32
    %dma_start3A_304 = arith.constant 6 : i32
    %dma_start3A_305 = arith.constant 0 : i32
    %dma_start3A_306 = arith.constant 0 : i32
    %dma_start3A_307 = tpu.memref_slice %arg6[%dma_start3A_304, %dma_start3A_305, %dma_start3A_306] : memref<8x50x128xf32, #tpu.memory_space<vmem>> -> memref<1x50x128xf32, #tpu.memory_space<vmem>>
    %dma_start3A_308 = tpu.memref_squeeze %dma_start3A_307 : memref<1x50x128xf32, #tpu.memory_space<vmem>> -> memref<50x128xf32, #tpu.memory_space<vmem>>
    %dma_start3A_309 = arith.constant 0 : i32
    %dma_start3A_310 = arith.constant 0 : i32
    %dma_start3A_311 = tpu.memref_slice %arg4[%add3A_303, %dma_start3A_309, %dma_start3A_310] : memref<4096x50x128xf32, #tpu.memory_space<hbm>> -> memref<1x50x128xf32, #tpu.memory_space<hbm>>
    %dma_start3A_312 = tpu.memref_squeeze %dma_start3A_311 : memref<1x50x128xf32, #tpu.memory_space<hbm>> -> memref<50x128xf32, #tpu.memory_space<hbm>>
    %dma_start3A_313 = arith.constant 0 : i32
    %dma_start3A_314 = arith.constant 0 : i32
    %dma_start3A_315 = tpu.memref_slice %arg4[%add3A_303, %dma_start3A_313, %dma_start3A_314] : memref<4096x50x128xf32, #tpu.memory_space<hbm>> -> memref<1x50x128xf32, #tpu.memory_space<hbm>>
    %dma_start3A_316 = tpu.memref_squeeze %dma_start3A_315 : memref<1x50x128xf32, #tpu.memory_space<hbm>> -> memref<50x128xf32, #tpu.memory_space<hbm>>
    %dma_start3A_317 = arith.constant 0 : i32
    %dma_start3A_318 = arith.constant 0 : i32
    %dma_start3A_319 = tpu.memref_slice %arg6[%dma_start3A_304, %dma_start3A_317, %dma_start3A_318] : memref<8x50x128xf32, #tpu.memory_space<vmem>> -> memref<1x50x128xf32, #tpu.memory_space<vmem>>
    %dma_start3A_320 = tpu.memref_squeeze %dma_start3A_319 : memref<1x50x128xf32, #tpu.memory_space<vmem>> -> memref<50x128xf32, #tpu.memory_space<vmem>>
    tpu.enqueue_dma source(%dma_start3A_320 : memref<50x128xf32, #tpu.memory_space<vmem>>) target(%dma_start3A_316 : memref<50x128xf32, #tpu.memory_space<hbm>>) target_semaphore(%arg22 : memref<!tpu.dma_semaphore, #tpu.memory_space<semaphore_mem>>)
    %dma_wait3A_321 = arith.constant 127 : i32
    %dma_wait3A_322 = arith.constant 7 : i32
    %dma_wait3A_323 = arith.constant 0 : i32
    %dma_wait3A_324 = arith.constant 0 : i32
    %dma_wait3A_325 = tpu.memref_slice %arg6[%dma_wait3A_322, %dma_wait3A_323, %dma_wait3A_324] : memref<8x50x128xf32, #tpu.memory_space<vmem>> -> memref<1x50x128xf32, #tpu.memory_space<vmem>>
    %dma_wait3A_326 = tpu.memref_squeeze %dma_wait3A_325 : memref<1x50x128xf32, #tpu.memory_space<vmem>> -> memref<50x128xf32, #tpu.memory_space<vmem>>
    %dma_wait3A_327 = arith.constant 0 : i32
    %dma_wait3A_328 = tpu.memref_slice %arg5[%dma_wait3A_321, %dma_wait3A_327] : memref<128x56xi32, #tpu.memory_space<vmem>> -> memref<1x50xi32, #tpu.memory_space<vmem>>
    %dma_wait3A_329 = tpu.memref_squeeze %dma_wait3A_328 : memref<1x50xi32, #tpu.memory_space<vmem>> -> memref<50xi32, #tpu.memory_space<vmem>>
    %dma_wait3A_330 = arith.constant 0 : i32
    %dma_wait3A_331 = arith.constant 0 : i32
    %dma_wait3A_332 = tpu.memref_slice %arg7[%dma_wait3A_330, %dma_wait3A_331] : memref<1000x128xf32, #tpu.memory_space<vmem_shared>> -> memref<1000x128xf32, #tpu.memory_space<vmem_shared>>
    tpu.wait_indirect_dma semaphore(%arg15 : memref<!tpu.dma_semaphore, #tpu.memory_space<semaphore_mem>>) src(%dma_wait3A_332 : memref<1000x128xf32, #tpu.memory_space<vmem_shared>>) dst(%dma_wait3A_326 : memref<50x128xf32, #tpu.memory_space<vmem>>)
    %add3A_333 = arith.constant 127 : i32
    %add3A_334 = arith.addi %mul3A_2, %add3A_333 : i32
    %dma_start3A_335 = arith.constant 7 : i32
    %dma_start3A_336 = arith.constant 0 : i32
    %dma_start3A_337 = arith.constant 0 : i32
    %dma_start3A_338 = tpu.memref_slice %arg6[%dma_start3A_335, %dma_start3A_336, %dma_start3A_337] : memref<8x50x128xf32, #tpu.memory_space<vmem>> -> memref<1x50x128xf32, #tpu.memory_space<vmem>>
    %dma_start3A_339 = tpu.memref_squeeze %dma_start3A_338 : memref<1x50x128xf32, #tpu.memory_space<vmem>> -> memref<50x128xf32, #tpu.memory_space<vmem>>
    %dma_start3A_340 = arith.constant 0 : i32
    %dma_start3A_341 = arith.constant 0 : i32
    %dma_start3A_342 = tpu.memref_slice %arg4[%add3A_334, %dma_start3A_340, %dma_start3A_341] : memref<4096x50x128xf32, #tpu.memory_space<hbm>> -> memref<1x50x128xf32, #tpu.memory_space<hbm>>
    %dma_start3A_343 = tpu.memref_squeeze %dma_start3A_342 : memref<1x50x128xf32, #tpu.memory_space<hbm>> -> memref<50x128xf32, #tpu.memory_space<hbm>>
    %dma_start3A_344 = arith.constant 0 : i32
    %dma_start3A_345 = arith.constant 0 : i32
    %dma_start3A_346 = tpu.memref_slice %arg4[%add3A_334, %dma_start3A_344, %dma_start3A_345] : memref<4096x50x128xf32, #tpu.memory_space<hbm>> -> memref<1x50x128xf32, #tpu.memory_space<hbm>>
    %dma_start3A_347 = tpu.memref_squeeze %dma_start3A_346 : memref<1x50x128xf32, #tpu.memory_space<hbm>> -> memref<50x128xf32, #tpu.memory_space<hbm>>
    %dma_start3A_348 = arith.constant 0 : i32
    %dma_start3A_349 = arith.constant 0 : i32
    %dma_start3A_350 = tpu.memref_slice %arg6[%dma_start3A_335, %dma_start3A_348, %dma_start3A_349] : memref<8x50x128xf32, #tpu.memory_space<vmem>> -> memref<1x50x128xf32, #tpu.memory_space<vmem>>
    %dma_start3A_351 = tpu.memref_squeeze %dma_start3A_350 : memref<1x50x128xf32, #tpu.memory_space<vmem>> -> memref<50x128xf32, #tpu.memory_space<vmem>>
    tpu.enqueue_dma source(%dma_start3A_351 : memref<50x128xf32, #tpu.memory_space<vmem>>) target(%dma_start3A_347 : memref<50x128xf32, #tpu.memory_space<hbm>>) target_semaphore(%arg23 : memref<!tpu.dma_semaphore, #tpu.memory_space<semaphore_mem>>)
    %add3A_352 = arith.constant 120 : i32
    %add3A_353 = arith.addi %mul3A_2, %add3A_352 : i32
    %dma_wait3A_354 = arith.constant 0 : i32
    %dma_wait3A_355 = arith.constant 0 : i32
    %dma_wait3A_356 = arith.constant 0 : i32
    %dma_wait3A_357 = tpu.memref_slice %arg6[%dma_wait3A_354, %dma_wait3A_355, %dma_wait3A_356] : memref<8x50x128xf32, #tpu.memory_space<vmem>> -> memref<1x50x128xf32, #tpu.memory_space<vmem>>
    %dma_wait3A_358 = tpu.memref_squeeze %dma_wait3A_357 : memref<1x50x128xf32, #tpu.memory_space<vmem>> -> memref<50x128xf32, #tpu.memory_space<vmem>>
    %dma_wait3A_359 = arith.constant 0 : i32
    %dma_wait3A_360 = arith.constant 0 : i32
    %dma_wait3A_361 = tpu.memref_slice %arg4[%add3A_353, %dma_wait3A_359, %dma_wait3A_360] : memref<4096x50x128xf32, #tpu.memory_space<hbm>> -> memref<1x50x128xf32, #tpu.memory_space<hbm>>
    %dma_wait3A_362 = tpu.memref_squeeze %dma_wait3A_361 : memref<1x50x128xf32, #tpu.memory_space<hbm>> -> memref<50x128xf32, #tpu.memory_space<hbm>>
    %dma_wait3A_363 = arith.constant 0 : i32
    %dma_wait3A_364 = arith.constant 0 : i32
    %dma_wait3A_365 = tpu.memref_slice %arg4[%add3A_353, %dma_wait3A_363, %dma_wait3A_364] : memref<4096x50x128xf32, #tpu.memory_space<hbm>> -> memref<1x50x128xf32, #tpu.memory_space<hbm>>
    %dma_wait3A_366 = tpu.memref_squeeze %dma_wait3A_365 : memref<1x50x128xf32, #tpu.memory_space<hbm>> -> memref<50x128xf32, #tpu.memory_space<hbm>>
    %dma_wait3A_367 = arith.constant 0 : i32
    %dma_wait3A_368 = arith.constant 0 : i32
    %dma_wait3A_369 = tpu.memref_slice %arg6[%dma_wait3A_354, %dma_wait3A_367, %dma_wait3A_368] : memref<8x50x128xf32, #tpu.memory_space<vmem>> -> memref<1x50x128xf32, #tpu.memory_space<vmem>>
    %dma_wait3A_370 = tpu.memref_squeeze %dma_wait3A_369 : memref<1x50x128xf32, #tpu.memory_space<vmem>> -> memref<50x128xf32, #tpu.memory_space<vmem>>
    tpu.wait_dma2 semaphore(%arg16 : memref<!tpu.dma_semaphore, #tpu.memory_space<semaphore_mem>>) src(%dma_wait3A_370 : memref<50x128xf32, #tpu.memory_space<vmem>>) dst(%dma_wait3A_366 : memref<50x128xf32, #tpu.memory_space<hbm>>)
    %add3A_371 = arith.constant 121 : i32
    %add3A_372 = arith.addi %mul3A_2, %add3A_371 : i32
    %dma_wait3A_373 = arith.constant 1 : i32
    %dma_wait3A_374 = arith.constant 0 : i32
    %dma_wait3A_375 = arith.constant 0 : i32
    %dma_wait3A_376 = tpu.memref_slice %arg6[%dma_wait3A_373, %dma_wait3A_374, %dma_wait3A_375] : memref<8x50x128xf32, #tpu.memory_space<vmem>> -> memref<1x50x128xf32, #tpu.memory_space<vmem>>
    %dma_wait3A_377 = tpu.memref_squeeze %dma_wait3A_376 : memref<1x50x128xf32, #tpu.memory_space<vmem>> -> memref<50x128xf32, #tpu.memory_space<vmem>>
    %dma_wait3A_378 = arith.constant 0 : i32
    %dma_wait3A_379 = arith.constant 0 : i32
    %dma_wait3A_380 = tpu.memref_slice %arg4[%add3A_372, %dma_wait3A_378, %dma_wait3A_379] : memref<4096x50x128xf32, #tpu.memory_space<hbm>> -> memref<1x50x128xf32, #tpu.memory_space<hbm>>
    %dma_wait3A_381 = tpu.memref_squeeze %dma_wait3A_380 : memref<1x50x128xf32, #tpu.memory_space<hbm>> -> memref<50x128xf32, #tpu.memory_space<hbm>>
    %dma_wait3A_382 = arith.constant 0 : i32
    %dma_wait3A_383 = arith.constant 0 : i32
    %dma_wait3A_384 = tpu.memref_slice %arg4[%add3A_372, %dma_wait3A_382, %dma_wait3A_383] : memref<4096x50x128xf32, #tpu.memory_space<hbm>> -> memref<1x50x128xf32, #tpu.memory_space<hbm>>
    %dma_wait3A_385 = tpu.memref_squeeze %dma_wait3A_384 : memref<1x50x128xf32, #tpu.memory_space<hbm>> -> memref<50x128xf32, #tpu.memory_space<hbm>>
    %dma_wait3A_386 = arith.constant 0 : i32
    %dma_wait3A_387 = arith.constant 0 : i32
    %dma_wait3A_388 = tpu.memref_slice %arg6[%dma_wait3A_373, %dma_wait3A_386, %dma_wait3A_387] : memref<8x50x128xf32, #tpu.memory_space<vmem>> -> memref<1x50x128xf32, #tpu.memory_space<vmem>>
    %dma_wait3A_389 = tpu.memref_squeeze %dma_wait3A_388 : memref<1x50x128xf32, #tpu.memory_space<vmem>> -> memref<50x128xf32, #tpu.memory_space<vmem>>
    tpu.wait_dma2 semaphore(%arg17 : memref<!tpu.dma_semaphore, #tpu.memory_space<semaphore_mem>>) src(%dma_wait3A_389 : memref<50x128xf32, #tpu.memory_space<vmem>>) dst(%dma_wait3A_385 : memref<50x128xf32, #tpu.memory_space<hbm>>)
    %add3A_390 = arith.constant 122 : i32
    %add3A_391 = arith.addi %mul3A_2, %add3A_390 : i32
    %dma_wait3A_392 = arith.constant 2 : i32
    %dma_wait3A_393 = arith.constant 0 : i32
    %dma_wait3A_394 = arith.constant 0 : i32
    %dma_wait3A_395 = tpu.memref_slice %arg6[%dma_wait3A_392, %dma_wait3A_393, %dma_wait3A_394] : memref<8x50x128xf32, #tpu.memory_space<vmem>> -> memref<1x50x128xf32, #tpu.memory_space<vmem>>
    %dma_wait3A_396 = tpu.memref_squeeze %dma_wait3A_395 : memref<1x50x128xf32, #tpu.memory_space<vmem>> -> memref<50x128xf32, #tpu.memory_space<vmem>>
    %dma_wait3A_397 = arith.constant 0 : i32
    %dma_wait3A_398 = arith.constant 0 : i32
    %dma_wait3A_399 = tpu.memref_slice %arg4[%add3A_391, %dma_wait3A_397, %dma_wait3A_398] : memref<4096x50x128xf32, #tpu.memory_space<hbm>> -> memref<1x50x128xf32, #tpu.memory_space<hbm>>
    %dma_wait3A_400 = tpu.memref_squeeze %dma_wait3A_399 : memref<1x50x128xf32, #tpu.memory_space<hbm>> -> memref<50x128xf32, #tpu.memory_space<hbm>>
    %dma_wait3A_401 = arith.constant 0 : i32
    %dma_wait3A_402 = arith.constant 0 : i32
    %dma_wait3A_403 = tpu.memref_slice %arg4[%add3A_391, %dma_wait3A_401, %dma_wait3A_402] : memref<4096x50x128xf32, #tpu.memory_space<hbm>> -> memref<1x50x128xf32, #tpu.memory_space<hbm>>
    %dma_wait3A_404 = tpu.memref_squeeze %dma_wait3A_403 : memref<1x50x128xf32, #tpu.memory_space<hbm>> -> memref<50x128xf32, #tpu.memory_space<hbm>>
    %dma_wait3A_405 = arith.constant 0 : i32
    %dma_wait3A_406 = arith.constant 0 : i32
    %dma_wait3A_407 = tpu.memref_slice %arg6[%dma_wait3A_392, %dma_wait3A_405, %dma_wait3A_406] : memref<8x50x128xf32, #tpu.memory_space<vmem>> -> memref<1x50x128xf32, #tpu.memory_space<vmem>>
    %dma_wait3A_408 = tpu.memref_squeeze %dma_wait3A_407 : memref<1x50x128xf32, #tpu.memory_space<vmem>> -> memref<50x128xf32, #tpu.memory_space<vmem>>
    tpu.wait_dma2 semaphore(%arg18 : memref<!tpu.dma_semaphore, #tpu.memory_space<semaphore_mem>>) src(%dma_wait3A_408 : memref<50x128xf32, #tpu.memory_space<vmem>>) dst(%dma_wait3A_404 : memref<50x128xf32, #tpu.memory_space<hbm>>)
    %add3A_409 = arith.constant 123 : i32
    %add3A_410 = arith.addi %mul3A_2, %add3A_409 : i32
    %dma_wait3A_411 = arith.constant 3 : i32
    %dma_wait3A_412 = arith.constant 0 : i32
    %dma_wait3A_413 = arith.constant 0 : i32
    %dma_wait3A_414 = tpu.memref_slice %arg6[%dma_wait3A_411, %dma_wait3A_412, %dma_wait3A_413] : memref<8x50x128xf32, #tpu.memory_space<vmem>> -> memref<1x50x128xf32, #tpu.memory_space<vmem>>
    %dma_wait3A_415 = tpu.memref_squeeze %dma_wait3A_414 : memref<1x50x128xf32, #tpu.memory_space<vmem>> -> memref<50x128xf32, #tpu.memory_space<vmem>>
    %dma_wait3A_416 = arith.constant 0 : i32
    %dma_wait3A_417 = arith.constant 0 : i32
    %dma_wait3A_418 = tpu.memref_slice %arg4[%add3A_410, %dma_wait3A_416, %dma_wait3A_417] : memref<4096x50x128xf32, #tpu.memory_space<hbm>> -> memref<1x50x128xf32, #tpu.memory_space<hbm>>
    %dma_wait3A_419 = tpu.memref_squeeze %dma_wait3A_418 : memref<1x50x128xf32, #tpu.memory_space<hbm>> -> memref<50x128xf32, #tpu.memory_space<hbm>>
    %dma_wait3A_420 = arith.constant 0 : i32
    %dma_wait3A_421 = arith.constant 0 : i32
    %dma_wait3A_422 = tpu.memref_slice %arg4[%add3A_410, %dma_wait3A_420, %dma_wait3A_421] : memref<4096x50x128xf32, #tpu.memory_space<hbm>> -> memref<1x50x128xf32, #tpu.memory_space<hbm>>
    %dma_wait3A_423 = tpu.memref_squeeze %dma_wait3A_422 : memref<1x50x128xf32, #tpu.memory_space<hbm>> -> memref<50x128xf32, #tpu.memory_space<hbm>>
    %dma_wait3A_424 = arith.constant 0 : i32
    %dma_wait3A_425 = arith.constant 0 : i32
    %dma_wait3A_426 = tpu.memref_slice %arg6[%dma_wait3A_411, %dma_wait3A_424, %dma_wait3A_425] : memref<8x50x128xf32, #tpu.memory_space<vmem>> -> memref<1x50x128xf32, #tpu.memory_space<vmem>>
    %dma_wait3A_427 = tpu.memref_squeeze %dma_wait3A_426 : memref<1x50x128xf32, #tpu.memory_space<vmem>> -> memref<50x128xf32, #tpu.memory_space<vmem>>
    tpu.wait_dma2 semaphore(%arg19 : memref<!tpu.dma_semaphore, #tpu.memory_space<semaphore_mem>>) src(%dma_wait3A_427 : memref<50x128xf32, #tpu.memory_space<vmem>>) dst(%dma_wait3A_423 : memref<50x128xf32, #tpu.memory_space<hbm>>)
    %add3A_428 = arith.constant 124 : i32
    %add3A_429 = arith.addi %mul3A_2, %add3A_428 : i32
    %dma_wait3A_430 = arith.constant 4 : i32
    %dma_wait3A_431 = arith.constant 0 : i32
    %dma_wait3A_432 = arith.constant 0 : i32
    %dma_wait3A_433 = tpu.memref_slice %arg6[%dma_wait3A_430, %dma_wait3A_431, %dma_wait3A_432] : memref<8x50x128xf32, #tpu.memory_space<vmem>> -> memref<1x50x128xf32, #tpu.memory_space<vmem>>
    %dma_wait3A_434 = tpu.memref_squeeze %dma_wait3A_433 : memref<1x50x128xf32, #tpu.memory_space<vmem>> -> memref<50x128xf32, #tpu.memory_space<vmem>>
    %dma_wait3A_435 = arith.constant 0 : i32
    %dma_wait3A_436 = arith.constant 0 : i32
    %dma_wait3A_437 = tpu.memref_slice %arg4[%add3A_429, %dma_wait3A_435, %dma_wait3A_436] : memref<4096x50x128xf32, #tpu.memory_space<hbm>> -> memref<1x50x128xf32, #tpu.memory_space<hbm>>
    %dma_wait3A_438 = tpu.memref_squeeze %dma_wait3A_437 : memref<1x50x128xf32, #tpu.memory_space<hbm>> -> memref<50x128xf32, #tpu.memory_space<hbm>>
    %dma_wait3A_439 = arith.constant 0 : i32
    %dma_wait3A_440 = arith.constant 0 : i32
    %dma_wait3A_441 = tpu.memref_slice %arg4[%add3A_429, %dma_wait3A_439, %dma_wait3A_440] : memref<4096x50x128xf32, #tpu.memory_space<hbm>> -> memref<1x50x128xf32, #tpu.memory_space<hbm>>
    %dma_wait3A_442 = tpu.memref_squeeze %dma_wait3A_441 : memref<1x50x128xf32, #tpu.memory_space<hbm>> -> memref<50x128xf32, #tpu.memory_space<hbm>>
    %dma_wait3A_443 = arith.constant 0 : i32
    %dma_wait3A_444 = arith.constant 0 : i32
    %dma_wait3A_445 = tpu.memref_slice %arg6[%dma_wait3A_430, %dma_wait3A_443, %dma_wait3A_444] : memref<8x50x128xf32, #tpu.memory_space<vmem>> -> memref<1x50x128xf32, #tpu.memory_space<vmem>>
    %dma_wait3A_446 = tpu.memref_squeeze %dma_wait3A_445 : memref<1x50x128xf32, #tpu.memory_space<vmem>> -> memref<50x128xf32, #tpu.memory_space<vmem>>
    tpu.wait_dma2 semaphore(%arg20 : memref<!tpu.dma_semaphore, #tpu.memory_space<semaphore_mem>>) src(%dma_wait3A_446 : memref<50x128xf32, #tpu.memory_space<vmem>>) dst(%dma_wait3A_442 : memref<50x128xf32, #tpu.memory_space<hbm>>)
    %add3A_447 = arith.constant 125 : i32
    %add3A_448 = arith.addi %mul3A_2, %add3A_447 : i32
    %dma_wait3A_449 = arith.constant 5 : i32
    %dma_wait3A_450 = arith.constant 0 : i32
    %dma_wait3A_451 = arith.constant 0 : i32
    %dma_wait3A_452 = tpu.memref_slice %arg6[%dma_wait3A_449, %dma_wait3A_450, %dma_wait3A_451] : memref<8x50x128xf32, #tpu.memory_space<vmem>> -> memref<1x50x128xf32, #tpu.memory_space<vmem>>
    %dma_wait3A_453 = tpu.memref_squeeze %dma_wait3A_452 : memref<1x50x128xf32, #tpu.memory_space<vmem>> -> memref<50x128xf32, #tpu.memory_space<vmem>>
    %dma_wait3A_454 = arith.constant 0 : i32
    %dma_wait3A_455 = arith.constant 0 : i32
    %dma_wait3A_456 = tpu.memref_slice %arg4[%add3A_448, %dma_wait3A_454, %dma_wait3A_455] : memref<4096x50x128xf32, #tpu.memory_space<hbm>> -> memref<1x50x128xf32, #tpu.memory_space<hbm>>
    %dma_wait3A_457 = tpu.memref_squeeze %dma_wait3A_456 : memref<1x50x128xf32, #tpu.memory_space<hbm>> -> memref<50x128xf32, #tpu.memory_space<hbm>>
    %dma_wait3A_458 = arith.constant 0 : i32
    %dma_wait3A_459 = arith.constant 0 : i32
    %dma_wait3A_460 = tpu.memref_slice %arg4[%add3A_448, %dma_wait3A_458, %dma_wait3A_459] : memref<4096x50x128xf32, #tpu.memory_space<hbm>> -> memref<1x50x128xf32, #tpu.memory_space<hbm>>
    %dma_wait3A_461 = tpu.memref_squeeze %dma_wait3A_460 : memref<1x50x128xf32, #tpu.memory_space<hbm>> -> memref<50x128xf32, #tpu.memory_space<hbm>>
    %dma_wait3A_462 = arith.constant 0 : i32
    %dma_wait3A_463 = arith.constant 0 : i32
    %dma_wait3A_464 = tpu.memref_slice %arg6[%dma_wait3A_449, %dma_wait3A_462, %dma_wait3A_463] : memref<8x50x128xf32, #tpu.memory_space<vmem>> -> memref<1x50x128xf32, #tpu.memory_space<vmem>>
    %dma_wait3A_465 = tpu.memref_squeeze %dma_wait3A_464 : memref<1x50x128xf32, #tpu.memory_space<vmem>> -> memref<50x128xf32, #tpu.memory_space<vmem>>
    tpu.wait_dma2 semaphore(%arg21 : memref<!tpu.dma_semaphore, #tpu.memory_space<semaphore_mem>>) src(%dma_wait3A_465 : memref<50x128xf32, #tpu.memory_space<vmem>>) dst(%dma_wait3A_461 : memref<50x128xf32, #tpu.memory_space<hbm>>)
    %add3A_466 = arith.constant 126 : i32
    %add3A_467 = arith.addi %mul3A_2, %add3A_466 : i32
    %dma_wait3A_468 = arith.constant 6 : i32
    %dma_wait3A_469 = arith.constant 0 : i32
    %dma_wait3A_470 = arith.constant 0 : i32
    %dma_wait3A_471 = tpu.memref_slice %arg6[%dma_wait3A_468, %dma_wait3A_469, %dma_wait3A_470] : memref<8x50x128xf32, #tpu.memory_space<vmem>> -> memref<1x50x128xf32, #tpu.memory_space<vmem>>
    %dma_wait3A_472 = tpu.memref_squeeze %dma_wait3A_471 : memref<1x50x128xf32, #tpu.memory_space<vmem>> -> memref<50x128xf32, #tpu.memory_space<vmem>>
    %dma_wait3A_473 = arith.constant 0 : i32
    %dma_wait3A_474 = arith.constant 0 : i32
    %dma_wait3A_475 = tpu.memref_slice %arg4[%add3A_467, %dma_wait3A_473, %dma_wait3A_474] : memref<4096x50x128xf32, #tpu.memory_space<hbm>> -> memref<1x50x128xf32, #tpu.memory_space<hbm>>
    %dma_wait3A_476 = tpu.memref_squeeze %dma_wait3A_475 : memref<1x50x128xf32, #tpu.memory_space<hbm>> -> memref<50x128xf32, #tpu.memory_space<hbm>>
    %dma_wait3A_477 = arith.constant 0 : i32
    %dma_wait3A_478 = arith.constant 0 : i32
    %dma_wait3A_479 = tpu.memref_slice %arg4[%add3A_467, %dma_wait3A_477, %dma_wait3A_478] : memref<4096x50x128xf32, #tpu.memory_space<hbm>> -> memref<1x50x128xf32, #tpu.memory_space<hbm>>
    %dma_wait3A_480 = tpu.memref_squeeze %dma_wait3A_479 : memref<1x50x128xf32, #tpu.memory_space<hbm>> -> memref<50x128xf32, #tpu.memory_space<hbm>>
    %dma_wait3A_481 = arith.constant 0 : i32
    %dma_wait3A_482 = arith.constant 0 : i32
    %dma_wait3A_483 = tpu.memref_slice %arg6[%dma_wait3A_468, %dma_wait3A_481, %dma_wait3A_482] : memref<8x50x128xf32, #tpu.memory_space<vmem>> -> memref<1x50x128xf32, #tpu.memory_space<vmem>>
    %dma_wait3A_484 = tpu.memref_squeeze %dma_wait3A_483 : memref<1x50x128xf32, #tpu.memory_space<vmem>> -> memref<50x128xf32, #tpu.memory_space<vmem>>
    tpu.wait_dma2 semaphore(%arg22 : memref<!tpu.dma_semaphore, #tpu.memory_space<semaphore_mem>>) src(%dma_wait3A_484 : memref<50x128xf32, #tpu.memory_space<vmem>>) dst(%dma_wait3A_480 : memref<50x128xf32, #tpu.memory_space<hbm>>)
    %add3A_485 = arith.constant 127 : i32
    %add3A_486 = arith.addi %mul3A_2, %add3A_485 : i32
    %dma_wait3A_487 = arith.constant 7 : i32
    %dma_wait3A_488 = arith.constant 0 : i32
    %dma_wait3A_489 = arith.constant 0 : i32
    %dma_wait3A_490 = tpu.memref_slice %arg6[%dma_wait3A_487, %dma_wait3A_488, %dma_wait3A_489] : memref<8x50x128xf32, #tpu.memory_space<vmem>> -> memref<1x50x128xf32, #tpu.memory_space<vmem>>
    %dma_wait3A_491 = tpu.memref_squeeze %dma_wait3A_490 : memref<1x50x128xf32, #tpu.memory_space<vmem>> -> memref<50x128xf32, #tpu.memory_space<vmem>>
    %dma_wait3A_492 = arith.constant 0 : i32
    %dma_wait3A_493 = arith.constant 0 : i32
    %dma_wait3A_494 = tpu.memref_slice %arg4[%add3A_486, %dma_wait3A_492, %dma_wait3A_493] : memref<4096x50x128xf32, #tpu.memory_space<hbm>> -> memref<1x50x128xf32, #tpu.memory_space<hbm>>
    %dma_wait3A_495 = tpu.memref_squeeze %dma_wait3A_494 : memref<1x50x128xf32, #tpu.memory_space<hbm>> -> memref<50x128xf32, #tpu.memory_space<hbm>>
    %dma_wait3A_496 = arith.constant 0 : i32
    %dma_wait3A_497 = arith.constant 0 : i32
    %dma_wait3A_498 = tpu.memref_slice %arg4[%add3A_486, %dma_wait3A_496, %dma_wait3A_497] : memref<4096x50x128xf32, #tpu.memory_space<hbm>> -> memref<1x50x128xf32, #tpu.memory_space<hbm>>
    %dma_wait3A_499 = tpu.memref_squeeze %dma_wait3A_498 : memref<1x50x128xf32, #tpu.memory_space<hbm>> -> memref<50x128xf32, #tpu.memory_space<hbm>>
    %dma_wait3A_500 = arith.constant 0 : i32
    %dma_wait3A_501 = arith.constant 0 : i32
    %dma_wait3A_502 = tpu.memref_slice %arg6[%dma_wait3A_487, %dma_wait3A_500, %dma_wait3A_501] : memref<8x50x128xf32, #tpu.memory_space<vmem>> -> memref<1x50x128xf32, #tpu.memory_space<vmem>>
    %dma_wait3A_503 = tpu.memref_squeeze %dma_wait3A_502 : memref<1x50x128xf32, #tpu.memory_space<vmem>> -> memref<50x128xf32, #tpu.memory_space<vmem>>
    tpu.wait_dma2 semaphore(%arg23 : memref<!tpu.dma_semaphore, #tpu.memory_space<semaphore_mem>>) src(%dma_wait3A_503 : memref<50x128xf32, #tpu.memory_space<vmem>>) dst(%dma_wait3A_499 : memref<50x128xf32, #tpu.memory_space<hbm>>)
    return
  }
}

</mosaic_0001>

<sc_bundles>
// kernel: kernel.3.cloned.1.call-start
scs
__scs_entry_jumppad:
0x0: {  	(pc) =	sbr.rel $0x88, $3  }
0x1: {  	(tag) =	ssettag $0x0;
	lr =	simm.s32 $0x1  }
0x2: {  	[smem:$0x3F9F] =	sst lr;
	_ =	strace $0xD0000000  }
0x3: {  	_ = 	snop  }
0x4: {  	_ = 	snop  }
0x5: {  	_ = 	snop  }
0x6: {  	_ = 	snop  }
0x7: {  	_ = 	snop  }
__scs_overlays_trampoline_lowered:
0x8: {  	[smem:$0x3FAE] =	sst s0  }
0x9: {  	[smem:$0x3FAF] =	sst s1  }
0xa: {  	[smem:$0x3FB0] =	sst s2  }
0xb: {  	[smem:$0x3FB1] =	sst s3  }
0xc: {  	[smem:$0x3FB2] =	sst s4  }
0xd: {  	[smem:$0x3FB3] =	sst s5  }
0xe: {  	[smem:$0x3FB4] =	sst s6  }
0xf: {  	[smem:$0x3FB5] =	sst s7  }
0x10: {  	[smem:$0x3FB6] =	sst s8  }
0x11: {  	[smem:$0x3FB7] =	sst s9;
	s0 =	simm.s32 @!p0 $0x0  }
0x12: {  	s1 =	sld [smem:$0x3F9D];
	s0 =	simm.s32 @p0 $0x1  }
0x13: {  	[smem:$0x3FB8] =	sst s0;
	s0 =	simm.s32 @!p1 $0x0  }
0x14: {  	s2 =	sld [smem:$0x3F9C];
	s0 =	simm.s32 @p1 $0x1  }
0x15: {  	[smem:$0x3FB9] =	sst s0;
	s0 =	simm.s32 @!p2 $0x0  }
0x16: {  	s3 =	sld [smem:$0x3FDB];
	s0 =	simm.s32 @p2 $0x1  }
0x17: {  	s4 =	simm.s32 $0x1BF5;
	[smem:$0x3FBB] =	sst s0  }
0x18: {  	s0 =	sld [smem:$0x3F9E];
	_ =	swait.ge [sflag:s4], $0x0  }
0x19: {  	s7 =	sld [smem:$0x3F9F]  }
0x1a: {  	s8 =	sadd.s32 $0xFFFFE003, lr  }
0x1b: {  	s9 =	sadd.s32 $0xFFFFFEF7, lr;
	s5 =	simm.s32 $0xFFFFFFFF;
	p2 =	slt.u32 s8, $0xFFFFF086  }
0x1c: {  	p1 =	slt.u32 s9, $0xF7A;
	s5 =	simm.s32 @!p2 $0x0  }
0x1d: {  	s5 =	simm.s32 @p1 $0x1;
	p0 =	seq.s32 s7, s2  }
0x1e: {  	s7 =	smul.u32 @!p0 $0xF7A, s2;
	p2 =	seq.s32 @!p0 s5, $0x0  }
0x1f: {  	s9 =	smul.u32 $0xF7A, s1;
	s8 =	simm.s32 @!p0 $0x1BF5;
	p2 =	por !p2, p0  }
0x20: {  	[sflag:s8] =	ssyncset.s32 @!p0 $0xFFFFF086;
	s6 =	sadd.s32 @!p0 s3, s7;
	s7 =	simm.s32 @!p0 $0x108  }
0x21: {  	s3 =	sadd.s32 s3, s9;
	s6 =	sadd.s32 @!p0 $0x88, s6;
	s7 =	simm.s32 @p2 $0x1082  }
0x22: {  	[simem:s7], [sflag:s8] =	dma.local @!p0 [hbm:s6], $0xF7A  }
0x23: {  	s9 =	sor.u32 $0xD0000000, s2;
	s6 =	simm.s32 $0x108;
	_ =	swait.ge @!p0 [sflag:s8], $0x0  }
0x24: {  	s3 =	sadd.s32 $0x88, s3;
	s6 =	simm.s32 @!p1 $0x1082;
	[sflag:s4] =	ssyncset.s32 $0xFFFFF086  }
0x25: {  	[simem:s6], [sflag:s4] =	dma.local [hbm:s3], $0xF7A  }
0x26: {  	[smem:$0x3F9F] =	sst s1;
	(tag) =	ssettag s2;
	_ =	strace s9  }
0x27: {  	s1 =	sld [smem:$0x3FAF]  }
0x28: {  	s2 =	sld [smem:$0x3FB0]  }
0x29: {  	s4 =	sld [smem:$0x3FB2]  }
0x2a: {  	p0 =	seq.s32 s5, $0x0;
	s5 =	sld [smem:$0x3FB3]  }
0x2b: {  	s6 =	sld [smem:$0x3FB4]  }
0x2c: {  	s7 =	sld [smem:$0x3FB5]  }
0x2d: {  	s3 =	simm.s32 $0x108;
	s8 =	sld [smem:$0x3FB6]  }
0x2e: {  	s3 =	simm.s32 @!p0 $0x1082;
	s9 =	sld [smem:$0x3FB7]  }
0x2f: {  	lr =	sadd.s32 s0, s3;
	s0 =	sld [smem:$0x3FAE]  }
0x30: {  	s3 =	sld [smem:$0x3FB1]  }
0x31: {  	[smem:$0x3FBA] =	sst s10  }
0x32: {  	s10 =	sld [smem:$0x3FB8];
	_ =	sdelay $0x3  }
0x33: {  	p0 =	seq.s32 s10, $0x1;
	s10 =	sld [smem:$0x3FBA];
	_ =	sdelay $0x3  }
0x34: {  	[smem:$0x3FBA] =	sst s10  }
0x35: {  	s10 =	sld [smem:$0x3FB9];
	_ =	sdelay $0x3  }
0x36: {  	p1 =	seq.s32 s10, $0x1;
	s10 =	sld [smem:$0x3FBA];
	_ =	sdelay $0x3  }
0x37: {  	[smem:$0x3FBA] =	sst s10  }
0x38: {  	s10 =	sld [smem:$0x3FBB]  }
0x39: {  	_ = 	snop;
	(pc) =	sbr.ind lr, $3  }
0x3a: {  	_ = 	snop  }
0x3b: {  	_ = 	snop  }
0x3c: {  	p2 =	seq.s32 s10, $0x1;
	s10 =	sld [smem:$0x3FBA]  }
0x3d: {  	_ =	shalt  }
0x3e: {  	_ =	shalt  }
0x3f: {  	_ =	shalt  }
0x40: {  	_ =	shalt  }
0x41: {  	_ =	shalt  }
0x42: {  	_ =	shalt  }
0x43: {  	_ =	shalt  }
0x44: {  	_ =	shalt  }
0x45: {  	_ =	shalt  }
0x46: {  	_ =	shalt  }
0x47: {  	_ =	shalt  }
0x48: {  	_ =	shalt  }
0x49: {  	_ =	shalt  }
0x4a: {  	_ =	shalt  }
0x4b: {  	_ =	shalt  }
0x4c: {  	_ =	shalt  }
0x4d: {  	_ =	shalt  }
0x4e: {  	_ =	shalt  }
0x4f: {  	_ =	shalt  }
0x50: {  	_ =	shalt  }
0x51: {  	_ =	shalt  }
0x52: {  	_ =	shalt  }
0x53: {  	_ =	shalt  }
0x54: {  	_ =	shalt  }
0x55: {  	_ =	shalt  }
0x56: {  	_ =	shalt  }
0x57: {  	_ =	shalt  }
0x58: {  	_ =	shalt  }
0x59: {  	_ =	shalt  }
0x5a: {  	_ =	shalt  }
0x5b: {  	_ =	shalt  }
0x5c: {  	_ =	shalt  }
0x5d: {  	_ =	shalt  }
0x5e: {  	_ =	shalt  }
0x5f: {  	_ =	shalt  }
0x60: {  	_ =	shalt  }
0x61: {  	_ =	shalt  }
0x62: {  	_ =	shalt  }
0x63: {  	_ =	shalt  }
0x64: {  	_ =	shalt  }
0x65: {  	_ =	shalt  }
0x66: {  	_ =	shalt  }
0x67: {  	_ =	shalt  }
0x68: {  	_ =	shalt  }
0x69: {  	_ =	shalt  }
0x6a: {  	_ =	shalt  }
0x6b: {  	_ =	shalt  }
0x6c: {  	_ =	shalt  }
0x6d: {  	_ =	shalt  }
0x6e: {  	_ =	shalt  }
0x6f: {  	_ =	shalt  }
0x70: {  	_ =	shalt  }
0x71: {  	_ =	shalt  }
0x72: {  	_ =	shalt  }
0x73: {  	_ =	shalt  }
0x74: {  	_ =	shalt  }
0x75: {  	_ =	shalt  }
0x76: {  	_ =	shalt  }
0x77: {  	_ =	shalt  }
0x78: {  	_ =	shalt  }
0x79: {  	_ =	shalt  }
0x7a: {  	_ =	shalt  }
0x7b: {  	_ =	shalt  }
0x7c: {  	_ =	shalt  }
0x7d: {  	_ =	shalt  }
0x7e: {  	_ =	shalt  }
0x7f: {  	_ =	shalt  }
0x80: {  	_ =	shalt  }
0x81: {  	_ =	shalt  }
0x82: {  	_ =	shalt  }
0x83: {  	_ =	shalt  }
0x84: {  	_ =	shalt  }
0x85: {  	_ =	shalt  }
0x86: {  	_ =	shalt  }
0x87: {  	_ =	shalt  }
.Lfunc_end0:
.L_simem_size_0:
called_computation_lowered:
.L_overlay_start_0:
0x88: {  	s2 =	sld [smem:$0x3FD9]  }
0x89: {  	s3 =	sld [smem:$0x3FFE];
	_ =	sdelay $0x1  }
0x8a: {  	s1 =	srdreg.scid  }
0x8b: {  	s0 =	sand.u32 $0x1, s1  }
0x8c: {  	s17 =	sshll.u32 s0, $0xA;
	s2 =	sadd.s32 s3, s2  }
0x8d: {  	s2 =	sadd.s32 s2, s17  }
0x8e: {  	[smem:$0x3FC6] =	sst s2  }
0x8f: {  	_ = 	snop  }
0x90: {  	s2 =	sld [smem:$0x3FC8]  }
0x91: {  	s18 =	sld [smem:$0x3FD0];
	(tm) =	ssettm $0x1  }
0x92: {  	s4 =	sld [smem:$0x3FFB];
	_ =	sdelay $0x3  }
0x93: {  	_ =	strace s4  }
0x94: {  	s4 =	sld [smem:$0x3FFC];
	_ =	sdelay $0x3  }
0x95: {  	_ =	strace s4  }
0x96: {  	s4 =	sld [smem:$0x3FFD];
	_ =	sdelay $0x3  }
0x97: {  	_ =	strace s4  }
0x98: {  	_ =	strace $0x8FFFFFFF  }
0x99: {  	s19 =	sld [smem:$0x3FDB];
	_ =	sdelay $0x1  }
0x9a: {  	s5 =	simm.s32 $_scs_section_size  }
0x9b: {  	s6 =	simm.s32 $_size__tile_overlayer_lowered;
	s7 =	simm.s32 $_tile_overlayer_lowered  }
0x9c: {  	s22 =	simm.s32 $0x1BFF;
	s21 =	sshll.u32 s7, $0x1;
	s4 =	sadd.s32 s5, s19  }
0x9d: {  	s8 =	simm.s32 $0x0;
	s20 =	sshll.u32 s6, $0x1;
	s6 =	sadd.s32 s21, s4  }
0x9e: {  	[timem:s8], [sflag:s22] =	dma.local [hbm:s6], s20  }
0x9f: {  	_ =	swait.ge [sflag:s22], s20  }
0xa0: {  	s5 =	ssub.s32 $0x0, s20;
	[sflag:s22] =	ssyncset.done $0x0  }
0xa1: {  	[sflag:s22] =	ssyncadd.s32 s5;
	_ =	sdelay $0x1  }
0xa2: {  	s23 =	simm.s32 $0x1B8B  }
0xa3: {  	_ =	swait.ge [sflag:s23], $0x1  }
0xa4: {  	[sflag:s23] =	ssyncset.done $0x0  }
0xa5: {  	s25 =	simm.s32 $0x1B8E;
	s24 =	sld [smem:$0x3FFE];
	[sflag:s23] =	ssyncadd.s32 $0xFFFFFFFF  }
0xa6: {  	s26 =	simm.s32 $execute0_lowered;
	[smem:$0x3FD2] =	sst s25  }
0xa7: {  	s6 =	sshll.u32 s26, $0x1;
	_ =	strace $0x80000046;
	[dreg:$0x1] =	wrdreg $0xFFFFFFFF  }
0xa8: {  	s28 =	simm.s32 $_size_execute0_lowered;
	s4 =	sadd.s32 s4, s6;
	[dreg:$0x0] =	wrdreg $0x0  }
0xa9: {  	s6 =	sshll.u32 s28, $0x1;
	[dreg:$0x2] =	wrdreg s4  }
0xaa: {  	[dreg:$0x3] =	wrdreg s6  }
0xab: {  	[dreg:$0x4] =	wrdreg $0xC0  }
0xac: {  	_ =	task [dreg:s8], $0x5FFFF  }
0xad: {  	[dreg:$0x1] =	wrdreg $0xFFFFFFFF  }
0xae: {  	[dreg:$0x0] =	wrdreg $0x60  }
0xaf: {  	[dreg:$0x2] =	wrdreg s18  }
0xb0: {  	[dreg:$0x3] =	wrdreg s2  }
0xb1: {  	[dreg:$0x4] =	wrdreg s24  }
0xb2: {  	[dreg:$0x5] =	wrdreg $0x120000  }
0xb3: {  	[dreg:$0x6] =	wrdreg $0x9  }
0xb4: {  	_ =	task.clear_ibuf [dreg:s8], $0x7FFFF;
	_ =	strace $0x90000046  }
0xb5: {  	s29 =	simm.s32 $0x9;
	_ =	strace $0x80000048  }
0xb6: {  	_ =	swait.ge [sflag:s29], $0x1  }
0xb7: {  	[sflag:s29] =	ssyncadd.s32 $0xFFFFFFFF  }
0xb8: {  	_ =	strace $0x90000048  }
0xb9: {  	_ =	sfence  }
0xba: {  	s30 =	sld [smem:$0x0];
	_ =	sdelay $0x2  }
0xbb: {  	s31 =	sshll.u32 s1, $0xD;
	s1 =	sshrl.u32 s1, $0x2  }
0xbc: {  	s3 =	sand.u32 $0x4000, s31;
	s1 =	sadd.s32 s1, s30  }
0xbd: {  	s0 =	sor.u32 s3, s0;
	s1 =	sshll.u32 s1, $0x11  }
0xbe: {  	s0 =	sor.u32 s1, s0  }
0xbf: {  	s0 =	sadd.s32 $0x8F2B, s0  }
0xc0: {  	[sflag:s0] =	ssyncadd.remote.s32 $0x1  }
0xc1: {  	_ =	sfence.sel $0xFFFF  }
0xc2: {  	[dreg:$0x0] =	wrdreg $0xFFFFFFFF;
	(pc) =	sbr.abs _section_cstart, $3  }
0xc3: {  	[dreg:$0x1] =	wrdreg $0xFFFFFFFF  }
0xc4: {  	_ =	task.clear_ibuf [dreg:s8], $0x2FFFF;
	_ =	strace $0x9FFFFFFF  }
0xc5: {  	(tm) =	ssettm $0x7FFFFFFF  }
tec
execute0_lowered:
.L_overlay_start_1:
0x0: {  	(tag) =	ssettag $0x1  }
0x1: {  	s0 =	rddreg [dreg:$0x0]  }
0x2: {  	s1 =	rddreg [dreg:$0x2]  }
0x3: {  	s3 =	srdreg.scid;
	s4 =	stileid.u32  }
0x4: {  	s2 =	rddreg [dreg:$0x3];
	s29 =	simm.s32 $0xCC00;
	s31 =	simm.s32 $0xE800  }
0x5: {  	s28 =	simm.s32 $0x5;
	s30 =	simm.s32 $0x6;
	s10 =	simm.s32 $0xE  }
0x6: {  	s11 =	simm.s32 $0xF;
	s12 =	simm.s32 $0x10;
	s5 =	sand.u32 $0x1, s3  }
0x7: {  	s6 =	sshll.u32 s4, $0x1;
	s3 =	simm.s32 $0x0;
	s23 =	smul.u32 $0x38000, s4  }
0x8: {  	s6 =	sor.u32 s5, s6;
	s8 =	ssub.s32 $0x2, s5;
	s5 =	smul.u32 $0x1C000, s5  }
0x9: {  	s1 =	sadd.s32 $0x400, s1;
	[smem:$0x7FF] =	sst s3;
	s7 =	smul.u32 $0xE0000, s6  }
0xa: {  	_ =	strace $0x80000047;
	s9 =	sshrl.u32 s8, $0x1;
	s6 =	sshll.u32 s6, $0xB  }
0xb: {  	s8 =	ssub.s32 s8, s9;
	s0 =	sadd.s32 s0, s6;
	s7 =	sshrl.u32 s7, $0x3  }
0xc: {  	[dreg:$0x5] =	wrdreg s0;
	s26 =	smax.u32 s8, $0x1;
	s0 =	sadd.s32 s23, s1  }
0xd: {  	s7 =	sadd.s32 s1, s7;
	[dreg:$0xe] =	wrdreg s26;
	s0 =	sadd.s32 s5, s0  }
0xe: {  	s14 =	simm.s32 $0x0;
	s17 =	sadd.s32 $0x1A400, s7;
	[dreg:$0xf] =	wrdreg s0  }
0xf: {  	p0 =	sne.s32 s4, $0x0;
	s18 =	sadd.s32 $0x1A780, s7;
	[dreg:$0x6] =	wrdreg s17  }
0x10: {  	s4 =	simm.s32 $0x8;
	s19 =	sadd.s32 $0x1AB00, s7;
	[dreg:$0x7] =	wrdreg s18  }
0x11: {  	s6 =	simm.s32 $0xA;
	s20 =	sadd.s32 $0x1AE80, s7;
	[dreg:$0x8] =	wrdreg s19  }
0x12: {  	s9 =	simm.s32 $0xD;
	s21 =	sadd.s32 $0x1B200, s7;
	[dreg:$0x9] =	wrdreg s20  }
0x13: {  	s23 =	simm.s32 $0x3;
	s22 =	sadd.s32 $0x1B580, s7;
	[dreg:$0xa] =	wrdreg s21  }
0x14: {  	s8 =	simm.s32 $0xC;
	s24 =	sadd.s32 $0x1B900, s7;
	[dreg:$0xb] =	wrdreg s22  }
0x15: {  	s26 =	simm.s32 $0xB000;
	s25 =	sadd.s32 $0x1BC80, s7;
	[dreg:$0xc] =	wrdreg s24  }
0x16: {  	s1 =	simm.s32 $0x7;
	s0 =	sshrl.u32 @!p0 s2, $0x3;
	[dreg:$0xd] =	wrdreg s25  }
0x17: {  	s5 =	simm.s32 $0x9;
	s7 =	simm.s32 $0xB;
	[dreg:$0x10] =	wrdreg s0  }
0x18: {  	s17 =	simm.s32 $0x32;
	s18 =	simm.s32 $0x4000;
	s20 =	simm.s32 $0x5C00  }
0x19: {  	s22 =	simm.s32 $0x7800;
	s24 =	simm.s32 $0x9400;
	s0 =	simm.s32 $0x10400  }
0x1a: {  	s19 =	simm.s32 $0x1;
	s21 =	simm.s32 $0x2;
	s25 =	simm.s32 $0x4  }
.LBB2_1:
0x1b: {  	[dreg:$0x11] =	wrdreg s14  }
0x1c: {  	s14 =	rddreg [dreg:$0x1]  }
0x1d: {  	s13 =	simm.s32 @!p0 $0x1C11;
	s15 =	rddreg [dreg:$0x10]  }
0x1e: {  	[spmem:s15], [sflag:s13] =	dma.local @!p0 [hbm:s14], $0x3E80  }
0x1f: {  	s13 =	simm.s32 @!p0 $0x11  }
0x20: {  	_ =	swait.ge @!p0 [sflag:s13], $0x3E80  }
0x21: {  	[sflag:s13] =	ssyncset.done @!p0 $0x0  }
0x22: {  	s16 =	simm.s32 $0x11;
	s15 =	rddreg [dreg:$0x5];
	[sflag:s13] =	ssyncadd.s32 @!p0 $0xFFFFC180  }
0x23: {  	[tilespmem:s3], [sflag:$0x11] =	stream.linear.gather [hbm4b:s15+s3], $0x4000, $0x38;
	[tilespmem:$0x13F40] =	vst v63  }
0x24: {  	_ =	swait.ge [sflag:s16], $0x4000  }
0x25: {  	[sflag:s16] =	ssyncset.done $0x0  }
0x26: {  	[sflag:s16] =	ssyncadd.s32 $0xFFFFC000  }
0x27: {  	[bflag:$0x0] =	sbarrier.arrive $0xFFFF  }
0x28: {  	[tilespmem:s18], [sflag:$0x1] =	stream.indirect.gather [spmem:s2], $0x80, s3, s17, $0xb8;
	[tilespmem:$0x13F40] =	vst v63  }
0x29: {  	s14 =	simm.s32 $0x80  }
0x2a: {  	[tilespmem:s20], [sflag:$0x2] =	stream.indirect.gather [spmem:s2], $0x80, s14, s17, $0xb8;
	[tilespmem:$0x13F40] =	vst v63  }
0x2b: {  	s15 =	simm.s32 $0x100  }
0x2c: {  	[tilespmem:s22], [sflag:$0x3] =	stream.indirect.gather [spmem:s2], $0x80, s15, s17, $0xb8;
	[tilespmem:$0x13F40] =	vst v63  }
0x2d: {  	s16 =	simm.s32 $0x180  }
0x2e: {  	[tilespmem:s24], [sflag:$0x4] =	stream.indirect.gather [spmem:s2], $0x80, s16, s17, $0xb8;
	[tilespmem:$0x13F40] =	vst v63  }
0x2f: {  	s14 =	simm.s32 $0x200  }
0x30: {  	[tilespmem:s26], [sflag:$0x5] =	stream.indirect.gather [spmem:s2], $0x80, s14, s17, $0xb8;
	[tilespmem:$0x13F40] =	vst v63  }
0x31: {  	s15 =	simm.s32 $0x280  }
0x32: {  	[tilespmem:s29], [sflag:$0x6] =	stream.indirect.gather [spmem:s2], $0x80, s15, s17, $0xb8;
	[tilespmem:$0x13F40] =	vst v63  }
0x33: {  	s16 =	simm.s32 $0x300  }
0x34: {  	[tilespmem:s31], [sflag:$0x7] =	stream.indirect.gather [spmem:s2], $0x80, s16, s17, $0xb8;
	[tilespmem:$0x13F40] =	vst v63  }
0x35: {  	s14 =	simm.s32 $0x380  }
0x36: {  	[tilespmem:s0], [sflag:$0x8] =	stream.indirect.gather [spmem:s2], $0x80, s14, s17, $0xb8;
	[tilespmem:$0x13F40] =	vst v63  }
0x37: {  	_ =	swait.ge [sflag:s19], $0x1900  }
0x38: {  	[sflag:s19] =	ssyncset.done $0x0  }
0x39: {  	s14 =	rddreg [dreg:$0xf];
	[sflag:s19] =	ssyncadd.s32 $0xFFFFE700  }
0x3a: {  	[hbm4b:s14+s3] =	stream.linear.scatter [tilespmem:s18], [sflag:$0x9], $0x1900, $0x38;
	[tilespmem:$0x13F40] =	vst v63  }
0x3b: {  	_ =	swait.ge [sflag:s21], $0x1900  }
0x3c: {  	[sflag:s21] =	ssyncset.done $0x0  }
0x3d: {  	s15 =	sadd.s32 $0x380, s14;
	[sflag:s21] =	ssyncadd.s32 $0xFFFFE700  }
0x3e: {  	[hbm4b:s15+s3] =	stream.linear.scatter [tilespmem:s20], [sflag:$0xA], $0x1900, $0x38;
	[tilespmem:$0x13F40] =	vst v63  }
0x3f: {  	_ =	swait.ge [sflag:s23], $0x1900  }
0x40: {  	[sflag:s23] =	ssyncset.done $0x0  }
0x41: {  	s16 =	sadd.s32 $0x700, s14;
	[sflag:s23] =	ssyncadd.s32 $0xFFFFE700  }
0x42: {  	[hbm4b:s16+s3] =	stream.linear.scatter [tilespmem:s22], [sflag:$0xB], $0x1900, $0x38;
	[tilespmem:$0x13F40] =	vst v63  }
0x43: {  	_ =	swait.ge [sflag:s25], $0x1900  }
0x44: {  	[sflag:s25] =	ssyncset.done $0x0  }
0x45: {  	s15 =	sadd.s32 $0xA80, s14;
	[sflag:s25] =	ssyncadd.s32 $0xFFFFE700  }
0x46: {  	[hbm4b:s15+s3] =	stream.linear.scatter [tilespmem:s24], [sflag:$0xC], $0x1900, $0x38;
	[tilespmem:$0x13F40] =	vst v63  }
0x47: {  	_ =	swait.ge [sflag:s28], $0x1900  }
0x48: {  	[sflag:s28] =	ssyncset.done $0x0  }
0x49: {  	s16 =	sadd.s32 $0xE00, s14;
	[sflag:s28] =	ssyncadd.s32 $0xFFFFE700  }
0x4a: {  	[hbm4b:s16+s3] =	stream.linear.scatter [tilespmem:s26], [sflag:$0xD], $0x1900, $0x38;
	[tilespmem:$0x13F40] =	vst v63  }
0x4b: {  	_ =	swait.ge [sflag:s30], $0x1900  }
0x4c: {  	[sflag:s30] =	ssyncset.done $0x0  }
0x4d: {  	s15 =	sadd.s32 $0x1180, s14;
	[sflag:s30] =	ssyncadd.s32 $0xFFFFE700  }
0x4e: {  	[hbm4b:s15+s3] =	stream.linear.scatter [tilespmem:s29], [sflag:$0xE], $0x1900, $0x38;
	[tilespmem:$0x13F40] =	vst v63  }
0x4f: {  	_ =	swait.ge [sflag:s1], $0x1900  }
0x50: {  	[sflag:s1] =	ssyncset.done $0x0  }
0x51: {  	s16 =	sadd.s32 $0x1500, s14;
	[sflag:s1] =	ssyncadd.s32 $0xFFFFE700  }
0x52: {  	[hbm4b:s16+s3] =	stream.linear.scatter [tilespmem:s31], [sflag:$0xF], $0x1900, $0x38;
	[tilespmem:$0x13F40] =	vst v63  }
0x53: {  	_ =	swait.ge [sflag:s4], $0x1900  }
0x54: {  	[sflag:s4] =	ssyncset.done $0x0  }
0x55: {  	s15 =	sadd.s32 $0x1880, s14;
	[sflag:s4] =	ssyncadd.s32 $0xFFFFE700  }
0x56: {  	[hbm4b:s15+s3] =	stream.linear.scatter [tilespmem:s0], [sflag:$0x10], $0x1900, $0x38;
	[tilespmem:$0x13F40] =	vst v63  }
0x57: {  	_ =	swait.ge [sflag:s5], $0x1900  }
0x58: {  	[sflag:s5] =	ssyncset.done $0x0  }
0x59: {  	s16 =	simm.s32 $0x400;
	[sflag:s5] =	ssyncadd.s32 $0xFFFFE700  }
0x5a: {  	[tilespmem:s18], [sflag:$0x1] =	stream.indirect.gather [spmem:s2], $0x80, s16, s17, $0xb8;
	[tilespmem:$0x13F40] =	vst v63  }
0x5b: {  	_ =	swait.ge [sflag:s6], $0x1900  }
0x5c: {  	[sflag:s6] =	ssyncset.done $0x0  }
0x5d: {  	s15 =	simm.s32 $0x480;
	[sflag:s6] =	ssyncadd.s32 $0xFFFFE700  }
0x5e: {  	[tilespmem:s20], [sflag:$0x2] =	stream.indirect.gather [spmem:s2], $0x80, s15, s17, $0xb8;
	[tilespmem:$0x13F40] =	vst v63  }
0x5f: {  	_ =	swait.ge [sflag:s7], $0x1900  }
0x60: {  	[sflag:s7] =	ssyncset.done $0x0  }
0x61: {  	s16 =	simm.s32 $0x500;
	[sflag:s7] =	ssyncadd.s32 $0xFFFFE700  }
0x62: {  	[tilespmem:s22], [sflag:$0x3] =	stream.indirect.gather [spmem:s2], $0x80, s16, s17, $0xb8;
	[tilespmem:$0x13F40] =	vst v63  }
0x63: {  	_ =	swait.ge [sflag:s8], $0x1900  }
0x64: {  	[sflag:s8] =	ssyncset.done $0x0  }
0x65: {  	s15 =	simm.s32 $0x580;
	[sflag:s8] =	ssyncadd.s32 $0xFFFFE700  }
0x66: {  	[tilespmem:s24], [sflag:$0x4] =	stream.indirect.gather [spmem:s2], $0x80, s15, s17, $0xb8;
	[tilespmem:$0x13F40] =	vst v63  }
0x67: {  	_ =	swait.ge [sflag:s9], $0x1900  }
0x68: {  	[sflag:s9] =	ssyncset.done $0x0  }
0x69: {  	s16 =	simm.s32 $0x600;
	[sflag:s9] =	ssyncadd.s32 $0xFFFFE700  }
0x6a: {  	[tilespmem:s26], [sflag:$0x5] =	stream.indirect.gather [spmem:s2], $0x80, s16, s17, $0xb8;
	[tilespmem:$0x13F40] =	vst v63  }
0x6b: {  	_ =	swait.ge [sflag:s10], $0x1900  }
0x6c: {  	[sflag:s10] =	ssyncset.done $0x0  }
0x6d: {  	s15 =	simm.s32 $0x680;
	[sflag:s10] =	ssyncadd.s32 $0xFFFFE700  }
0x6e: {  	[tilespmem:s29], [sflag:$0x6] =	stream.indirect.gather [spmem:s2], $0x80, s15, s17, $0xb8;
	[tilespmem:$0x13F40] =	vst v63  }
0x6f: {  	_ =	swait.ge [sflag:s11], $0x1900  }
0x70: {  	[sflag:s11] =	ssyncset.done $0x0  }
0x71: {  	s16 =	simm.s32 $0x700;
	[sflag:s11] =	ssyncadd.s32 $0xFFFFE700  }
0x72: {  	[tilespmem:s31], [sflag:$0x7] =	stream.indirect.gather [spmem:s2], $0x80, s16, s17, $0xb8;
	[tilespmem:$0x13F40] =	vst v63  }
0x73: {  	_ =	swait.ge [sflag:s12], $0x1900  }
0x74: {  	s13 =	simm.s32 $0x780;
	[sflag:s12] =	ssyncset.done $0x0  }
0x75: {  	s15 =	simm.s32 $0x1000;
	s16 =	sadd.s32 $0x1C00, s14;
	[sflag:s12] =	ssyncadd.s32 $0xFFFFE700  }
.LBB2_2:
0x76: {  	[tilespmem:s0], [sflag:$0x8] =	stream.indirect.gather [spmem:s2], $0x80, s13, s17, $0xb8;
	[tilespmem:$0x13F40] =	vst v63  }
0x77: {  	s13 =	smov.u32 s15  }
0x78: {  	p1 =	sne.s32 s15, $0xE000;
	s15 =	sadd.s32 $0x1000, s15;
	_ =	swait.ge [sflag:s19], $0x1900  }
0x79: {  	[sflag:s19] =	ssyncset.done $0x0  }
0x7a: {  	[sflag:s19] =	ssyncadd.s32 $0xFFFFE700  }
0x7b: {  	[hbm4b:s16+s3] =	stream.linear.scatter [tilespmem:s18], [sflag:$0x9], $0x1900, $0x38;
	[tilespmem:$0x13F40] =	vst v63  }
0x7c: {  	_ =	swait.ge [sflag:s21], $0x1900  }
0x7d: {  	[sflag:s21] =	ssyncset.done $0x0  }
0x7e: {  	s14 =	sadd.s32 $0x380, s16;
	[sflag:s21] =	ssyncadd.s32 $0xFFFFE700  }
0x7f: {  	[hbm4b:s14+s3] =	stream.linear.scatter [tilespmem:s20], [sflag:$0xA], $0x1900, $0x38;
	[tilespmem:$0x13F40] =	vst v63  }
0x80: {  	_ =	swait.ge [sflag:s23], $0x1900  }
0x81: {  	[sflag:s23] =	ssyncset.done $0x0  }
0x82: {  	s14 =	sadd.s32 $0x700, s16;
	[sflag:s23] =	ssyncadd.s32 $0xFFFFE700  }
0x83: {  	[hbm4b:s14+s3] =	stream.linear.scatter [tilespmem:s22], [sflag:$0xB], $0x1900, $0x38;
	[tilespmem:$0x13F40] =	vst v63  }
0x84: {  	_ =	swait.ge [sflag:s25], $0x1900  }
0x85: {  	[sflag:s25] =	ssyncset.done $0x0  }
0x86: {  	s14 =	sadd.s32 $0xA80, s16;
	[sflag:s25] =	ssyncadd.s32 $0xFFFFE700  }
0x87: {  	[hbm4b:s14+s3] =	stream.linear.scatter [tilespmem:s24], [sflag:$0xC], $0x1900, $0x38;
	[tilespmem:$0x13F40] =	vst v63  }
0x88: {  	_ =	swait.ge [sflag:s28], $0x1900  }
0x89: {  	[sflag:s28] =	ssyncset.done $0x0  }
0x8a: {  	s14 =	sadd.s32 $0xE00, s16;
	[sflag:s28] =	ssyncadd.s32 $0xFFFFE700  }
0x8b: {  	[hbm4b:s14+s3] =	stream.linear.scatter [tilespmem:s26], [sflag:$0xD], $0x1900, $0x38;
	[tilespmem:$0x13F40] =	vst v63  }
0x8c: {  	_ =	swait.ge [sflag:s30], $0x1900  }
0x8d: {  	[sflag:s30] =	ssyncset.done $0x0  }
0x8e: {  	s14 =	sadd.s32 $0x1180, s16;
	[sflag:s30] =	ssyncadd.s32 $0xFFFFE700  }
0x8f: {  	[hbm4b:s14+s3] =	stream.linear.scatter [tilespmem:s29], [sflag:$0xE], $0x1900, $0x38;
	[tilespmem:$0x13F40] =	vst v63  }
0x90: {  	_ =	swait.ge [sflag:s1], $0x1900  }
0x91: {  	[sflag:s1] =	ssyncset.done $0x0  }
0x92: {  	s14 =	sadd.s32 $0x1500, s16;
	[sflag:s1] =	ssyncadd.s32 $0xFFFFE700  }
0x93: {  	[hbm4b:s14+s3] =	stream.linear.scatter [tilespmem:s31], [sflag:$0xF], $0x1900, $0x38;
	[tilespmem:$0x13F40] =	vst v63  }
0x94: {  	_ =	swait.ge [sflag:s4], $0x1900  }
0x95: {  	[sflag:s4] =	ssyncset.done $0x0  }
0x96: {  	s14 =	sadd.s32 $0x1880, s16;
	[sflag:s4] =	ssyncadd.s32 $0xFFFFE700  }
0x97: {  	[hbm4b:s14+s3] =	stream.linear.scatter [tilespmem:s0], [sflag:$0x10], $0x1900, $0x38;
	[tilespmem:$0x13F40] =	vst v63  }
0x98: {  	_ =	swait.ge [sflag:s5], $0x1900  }
0x99: {  	s13 =	sshra.s32 s13, $0x2;
	[sflag:s5] =	ssyncset.done $0x0  }
0x9a: {  	s14 =	sadd.s32 $0x400, s13;
	[sflag:s5] =	ssyncadd.s32 $0xFFFFE700  }
0x9b: {  	[tilespmem:s18], [sflag:$0x1] =	stream.indirect.gather [spmem:s2], $0x80, s14, s17, $0xb8;
	[tilespmem:$0x13F40] =	vst v63  }
0x9c: {  	_ =	swait.ge [sflag:s6], $0x1900  }
0x9d: {  	[sflag:s6] =	ssyncset.done $0x0  }
0x9e: {  	s14 =	sadd.s32 $0x480, s13;
	[sflag:s6] =	ssyncadd.s32 $0xFFFFE700  }
0x9f: {  	[tilespmem:s20], [sflag:$0x2] =	stream.indirect.gather [spmem:s2], $0x80, s14, s17, $0xb8;
	[tilespmem:$0x13F40] =	vst v63  }
0xa0: {  	_ =	swait.ge [sflag:s7], $0x1900  }
0xa1: {  	[sflag:s7] =	ssyncset.done $0x0  }
0xa2: {  	s14 =	sadd.s32 $0x500, s13;
	[sflag:s7] =	ssyncadd.s32 $0xFFFFE700  }
0xa3: {  	[tilespmem:s22], [sflag:$0x3] =	stream.indirect.gather [spmem:s2], $0x80, s14, s17, $0xb8;
	[tilespmem:$0x13F40] =	vst v63  }
0xa4: {  	_ =	swait.ge [sflag:s8], $0x1900  }
0xa5: {  	[sflag:s8] =	ssyncset.done $0x0  }
0xa6: {  	s14 =	sadd.s32 $0x580, s13;
	[sflag:s8] =	ssyncadd.s32 $0xFFFFE700  }
0xa7: {  	[tilespmem:s24], [sflag:$0x4] =	stream.indirect.gather [spmem:s2], $0x80, s14, s17, $0xb8;
	[tilespmem:$0x13F40] =	vst v63  }
0xa8: {  	_ =	swait.ge [sflag:s9], $0x1900  }
0xa9: {  	[sflag:s9] =	ssyncset.done $0x0  }
0xaa: {  	s14 =	sadd.s32 $0x600, s13;
	[sflag:s9] =	ssyncadd.s32 $0xFFFFE700  }
0xab: {  	[tilespmem:s26], [sflag:$0x5] =	stream.indirect.gather [spmem:s2], $0x80, s14, s17, $0xb8;
	[tilespmem:$0x13F40] =	vst v63  }
0xac: {  	_ =	swait.ge [sflag:s10], $0x1900  }
0xad: {  	[sflag:s10] =	ssyncset.done $0x0  }
0xae: {  	s14 =	sadd.s32 $0x680, s13;
	[sflag:s10] =	ssyncadd.s32 $0xFFFFE700  }
0xaf: {  	[tilespmem:s29], [sflag:$0x6] =	stream.indirect.gather [spmem:s2], $0x80, s14, s17, $0xb8;
	[tilespmem:$0x13F40] =	vst v63  }
0xb0: {  	_ =	swait.ge [sflag:s11], $0x1900  }
0xb1: {  	[sflag:s11] =	ssyncset.done $0x0  }
.Ltmp0:
0xb2: {  	s14 =	sadd.s32 $0x700, s13;
	[sflag:s11] =	ssyncadd.s32 $0xFFFFE700;
	(pc) =	sbr.rel @p1 .LBB2_2-.Ltmp0, $4  }
0xb3: {  	[tilespmem:s31], [sflag:$0x7] =	stream.indirect.gather [spmem:s2], $0x80, s14, s17, $0xb8;
	[tilespmem:$0x13F40] =	vst v63  }
0xb4: {  	_ =	swait.ge [sflag:s12], $0x1900  }
0xb5: {  	[sflag:s12] =	ssyncset.done $0x0  }
0xb6: {  	s16 =	sadd.s32 $0x1C00, s16;
	s13 =	sadd.s32 $0x780, s13;
	[sflag:s12] =	ssyncadd.s32 $0xFFFFE700  }
0xb7: {  	[tilespmem:s0], [sflag:$0x8] =	stream.indirect.gather [spmem:s2], $0x80, s13, s17, $0xb8;
	[tilespmem:$0x13F40] =	vst v63  }
0xb8: {  	_ =	swait.ge [sflag:s19], $0x1900  }
0xb9: {  	[sflag:s19] =	ssyncset.done $0x0  }
0xba: {  	s14 =	rddreg [dreg:$0x6];
	[sflag:s19] =	ssyncadd.s32 $0xFFFFE700  }
0xbb: {  	[hbm4b:s14+s3] =	stream.linear.scatter [tilespmem:s18], [sflag:$0x9], $0x1900, $0x38;
	[tilespmem:$0x13F40] =	vst v63  }
0xbc: {  	_ =	swait.ge [sflag:s21], $0x1900  }
0xbd: {  	[sflag:s21] =	ssyncset.done $0x0  }
0xbe: {  	s15 =	rddreg [dreg:$0x7];
	[sflag:s21] =	ssyncadd.s32 $0xFFFFE700  }
0xbf: {  	[hbm4b:s15+s3] =	stream.linear.scatter [tilespmem:s20], [sflag:$0xA], $0x1900, $0x38;
	[tilespmem:$0x13F40] =	vst v63  }
0xc0: {  	_ =	swait.ge [sflag:s23], $0x1900  }
0xc1: {  	[sflag:s23] =	ssyncset.done $0x0  }
0xc2: {  	s16 =	rddreg [dreg:$0x8];
	[sflag:s23] =	ssyncadd.s32 $0xFFFFE700  }
0xc3: {  	[hbm4b:s16+s3] =	stream.linear.scatter [tilespmem:s22], [sflag:$0xB], $0x1900, $0x38;
	[tilespmem:$0x13F40] =	vst v63  }
0xc4: {  	_ =	swait.ge [sflag:s25], $0x1900  }
0xc5: {  	[sflag:s25] =	ssyncset.done $0x0  }
0xc6: {  	s14 =	rddreg [dreg:$0x9];
	[sflag:s25] =	ssyncadd.s32 $0xFFFFE700  }
0xc7: {  	[hbm4b:s14+s3] =	stream.linear.scatter [tilespmem:s24], [sflag:$0xC], $0x1900, $0x38;
	[tilespmem:$0x13F40] =	vst v63  }
0xc8: {  	_ =	swait.ge [sflag:s28], $0x1900  }
0xc9: {  	[sflag:s28] =	ssyncset.done $0x0  }
0xca: {  	s15 =	rddreg [dreg:$0xa];
	[sflag:s28] =	ssyncadd.s32 $0xFFFFE700  }
0xcb: {  	[hbm4b:s15+s3] =	stream.linear.scatter [tilespmem:s26], [sflag:$0xD], $0x1900, $0x38;
	[tilespmem:$0x13F40] =	vst v63  }
0xcc: {  	_ =	swait.ge [sflag:s30], $0x1900  }
0xcd: {  	[sflag:s30] =	ssyncset.done $0x0  }
0xce: {  	s16 =	rddreg [dreg:$0xb];
	[sflag:s30] =	ssyncadd.s32 $0xFFFFE700  }
0xcf: {  	[hbm4b:s16+s3] =	stream.linear.scatter [tilespmem:s29], [sflag:$0xE], $0x1900, $0x38;
	[tilespmem:$0x13F40] =	vst v63  }
0xd0: {  	_ =	swait.ge [sflag:s1], $0x1900  }
0xd1: {  	[sflag:s1] =	ssyncset.done $0x0  }
0xd2: {  	s14 =	rddreg [dreg:$0xc];
	[sflag:s1] =	ssyncadd.s32 $0xFFFFE700  }
0xd3: {  	[hbm4b:s14+s3] =	stream.linear.scatter [tilespmem:s31], [sflag:$0xF], $0x1900, $0x38;
	[tilespmem:$0x13F40] =	vst v63  }
0xd4: {  	_ =	swait.ge [sflag:s4], $0x1900  }
0xd5: {  	[sflag:s4] =	ssyncset.done $0x0  }
0xd6: {  	s15 =	rddreg [dreg:$0xd];
	[sflag:s4] =	ssyncadd.s32 $0xFFFFE700  }
0xd7: {  	[hbm4b:s15+s3] =	stream.linear.scatter [tilespmem:s0], [sflag:$0x10], $0x1900, $0x38;
	[tilespmem:$0x13F40] =	vst v63  }
0xd8: {  	_ =	swait.ge [sflag:s5], $0x1900  }
0xd9: {  	[sflag:s5] =	ssyncset.done $0x0  }
0xda: {  	[sflag:s5] =	ssyncadd.s32 $0xFFFFE700  }
0xdb: {  	_ =	swait.ge [sflag:s6], $0x1900  }
0xdc: {  	[sflag:s6] =	ssyncset.done $0x0  }
0xdd: {  	[sflag:s6] =	ssyncadd.s32 $0xFFFFE700  }
0xde: {  	_ =	swait.ge [sflag:s7], $0x1900  }
0xdf: {  	[sflag:s7] =	ssyncset.done $0x0  }
0xe0: {  	[sflag:s7] =	ssyncadd.s32 $0xFFFFE700  }
0xe1: {  	_ =	swait.ge [sflag:s8], $0x1900  }
0xe2: {  	[sflag:s8] =	ssyncset.done $0x0  }
0xe3: {  	[sflag:s8] =	ssyncadd.s32 $0xFFFFE700  }
0xe4: {  	_ =	swait.ge [sflag:s9], $0x1900  }
0xe5: {  	[sflag:s9] =	ssyncset.done $0x0  }
0xe6: {  	[sflag:s9] =	ssyncadd.s32 $0xFFFFE700  }
0xe7: {  	_ =	swait.ge [sflag:s10], $0x1900  }
0xe8: {  	[sflag:s10] =	ssyncset.done $0x0  }
0xe9: {  	[sflag:s10] =	ssyncadd.s32 $0xFFFFE700  }
0xea: {  	_ =	swait.ge [sflag:s11], $0x1900  }
0xeb: {  	[sflag:s11] =	ssyncset.done $0x0  }
0xec: {  	[sflag:s11] =	ssyncadd.s32 $0xFFFFE700  }
0xed: {  	_ =	swait.ge [sflag:s12], $0x1900  }
0xee: {  	s14 =	rddreg [dreg:$0x11]  }
0xef: {  	s16 =	rddreg [dreg:$0xe];
	s14 =	sadd.s32 $0x1, s14  }
0xf0: {  	p1 =	sne.s32 s14, s16  }
.Ltmp1:
0xf1: {  	_ = 	snop;
	(pc) =	sbr.rel @p1 .LBB2_1-.Ltmp1, $3  }
0xf2: {  	_ =	sdelay $0x1  }
0xf3: {  	[sflag:s12] =	ssyncset.done $0x0  }
0xf4: {  	[sflag:s12] =	ssyncadd.s32 $0xFFFFE700  }
0xf5: {  	_ =	sfence.sel $0x180000  }
0xf6: {  	[bflag:$0x0] =	sbarrier.arrive $0xFFFF  }
0xf7: {  	_ =	strace $0x90000047  }
0xf8: {  	[bflag:$0x2] =	sbarrier.arrive $0xFFFF  }
0xf9: {  	s0 =	rddreg [dreg:$0x4]  }
0xfa: {  	s0 =	sadd.s32 @!p0 $0x100000, s0  }
0xfb: {  	[sflag:s0] =	ssyncadd.tile.s32 @!p0 $0x1;
	_ =	shalt  }
.Lfunc_end2:
_tile_overlayer_lowered:
.L_overlay_start_2:
0xfc: {  	(tag) =	ssettag $0x2  }
0xfd: {  	s0 =	rddreg [dreg:$0x0];
	s2 =	stileid.u32  }
0xfe: {  	s1 =	rddreg [dreg:$0x1];
	p0 =	sne.s32 s2, $0x0  }
0xff: {  	s3 =	rddreg [dreg:$0x2];
	[bflag:$0x3] =	sbarrier.arrive $0xFFFF;
	s2 =	simm.s32 @!p0 $0x1C11  }
0x100: {  	[timem:s3], [sflag:s2] =	dma.local @!p0 [hbm:s0], s1  }
0x101: {  	s0 =	simm.s32 @!p0 $0x11  }
0x102: {  	_ =	swait.ge @!p0 [sflag:s0], s1  }
0x103: {  	s1 =	ssub.s32 @!p0 $0x0, s1;
	[sflag:s0] =	ssyncset.done @!p0 $0x0  }
0x104: {  	[sflag:s0] =	ssyncadd.s32 @!p0 s1  }
0x105: {  	[bflag:$0x3] =	sbarrier.arrive $0xFFFF  }
0x106: {  	_ =	shalt  }

</sc_bundles>
